<compile_context>
chip_gen: v7x
topology: tpu7x:2x2x1
jax: 0.10.2.dev20260603
libtpu: 0.0.44.dev20260713+nightly
codegen_flags: <defaults>
</compile_context>

<pallas_src>
import functools

import jax
import jax.numpy as jnp
from jax import lax
from jax.experimental import pallas as pl
from jax.experimental.pallas import tpu as pltpu
from jax.experimental.pallas import tpu_sc as plsc

_B, _N, _DC, _DP = 16, 100000, 3, 8
_K = 16
_L = 16
_NPAD = 102400
_ROWS = 8
_RN = _NPAD // _ROWS
_HN = _RN // 2
_CN = 3200
_NCK = _HN // _CN
_G = 8
_GPTS = _G * _L
_NGROUP = _ROWS * _CN // _GPTS
_INF = float("inf")
_PAD_VAL = 1e30


def _merge16(bd, bi, d, i):
  sd, si = plsc.sort_key_val(d, i)
  rd = lax.rev(sd, (0,))
  ri = lax.rev(si, (0,))
  take_old = bd <= rd
  nd = jnp.where(take_old, bd, rd)
  ni = jnp.where(take_old, bi, ri)
  return plsc.sort_key_val(nd, ni)


def _sc_topk_idx(lgp, xs, ys):
  mesh = plsc.VectorSubcoreMesh(
      core_axis_name="c", subcore_axis_name="s", num_cores=2, num_subcores=16)

  @functools.partial(
      pl.kernel,
      out_type=jax.ShapeDtypeStruct((_B * _K,), jnp.int32),
      mesh=mesh,
      compiler_params=pltpu.CompilerParams(
          use_tc_tiling_on_sc=True, needs_layout_passes=False),
      scratch_types=[
          pltpu.VMEM((_ROWS, _CN), jnp.float32),
          pltpu.VMEM((_ROWS, _CN), jnp.float32),
          pltpu.VMEM((_ROWS, _CN), jnp.float32),
          pltpu.VMEM((_ROWS, _CN), jnp.float32),
          pltpu.VMEM((16,), jnp.float32),
          pltpu.VMEM((_K,), jnp.float32),
          pltpu.VMEM((_K,), jnp.int32),
          pltpu.VMEM((_K,), jnp.float32),
          pltpu.VMEM((_K,), jnp.int32),
          pltpu.VMEM_SHARED((16, _K), jnp.float32),
          pltpu.VMEM_SHARED((16, _K), jnp.int32),
          pltpu.SemaphoreType.DMA,
          pltpu.SemaphoreType.DMA,
          pltpu.SemaphoreType.DMA,
          pltpu.SemaphoreType.DMA,
          pltpu.SemaphoreType.DMA,
      ],
  )
  def scan_kernel(lgp_hbm, xs_hbm, ys_hbm, out_hbm,
                  xbuf0, xbuf1, ybuf0, ybuf1, lgp_v,
                  dv, iv, dv2, iv2, dsh, ish,
                  xsem0, xsem1, ysem0, ysem1, gsem):
    c = lax.axis_index("c")
    s = lax.axis_index("s")
    b = c * 8 + lax.rem(s, 8)
    h = s // 8

    iota = lax.iota(jnp.int32, _L)
    xbufs = (xbuf0, xbuf1)
    ybufs = (ybuf0, ybuf1)
    xsems = (xsem0, xsem1)
    ysems = (ysem0, ysem1)

    pltpu.sync_copy(lgp_hbm, lgp_v.at[pl.ds(0, 2)])
    lv = lgp_v[...]
    gx = lv[0]
    gy = lv[1]

    hbase = h * _HN
    cpx = pltpu.async_copy(
        xs_hbm.at[b, :, pl.ds(hbase, _CN)], xbuf0, xsem0)
    cpy = pltpu.async_copy(
        ys_hbm.at[b, :, pl.ds(hbase, _CN)], ybuf0, ysem0)

    best_d = jnp.full((_L,), _INF, jnp.float32)
    best_i = jnp.zeros((_L,), jnp.int32)
    thr = _INF

    for ck in range(_NCK):
      xb = xbufs[ck % 2]
      yb = ybufs[ck % 2]
      cpx.wait()
      cpy.wait()
      if ck + 1 < _NCK:
        cpx = pltpu.async_copy(
            xs_hbm.at[b, :, pl.ds(hbase + (ck + 1) * _CN, _CN)],
            xbufs[(ck + 1) % 2], xsems[(ck + 1) % 2])
        cpy = pltpu.async_copy(
            ys_hbm.at[b, :, pl.ds(hbase + (ck + 1) * _CN, _CN)],
            ybufs[(ck + 1) % 2], ysems[(ck + 1) % 2])

      cbase = hbase + ck * _CN

      def group_body(g, carry, xb=xb, yb=yb, cbase=cbase):
        del g
        bd, bi, th, r, cc = carry

        def dists(u):
          x = xb[r, pl.ds(cc + u * _L, _L)]
          y = yb[r, pl.ds(cc + u * _L, _L)]
          dx = x - gx
          dy = y - gy
          return dx * dx + dy * dy

        ds = [dists(u) for u in range(_G)]
        gmin = ds[0]
        for u in range(1, _G):
          gmin = jnp.minimum(gmin, ds[u])
        hit = jnp.min(gmin) < th
        pbase = r * _RN + cbase + cc

        def slow(bd, bi, th, pbase, *ds):
          mins = [jnp.min(du) for du in ds]
          for u in range(_G):
            du = ds[u]
            iu = pbase + u * _L + iota

            def do_merge(bd, bi, du=du, iu=iu):
              nd, ni = _merge16(bd, bi, du, iu)
              return nd, ni, jnp.max(nd)

            bd, bi, th = lax.cond(
                mins[u] < th,
                do_merge,
                lambda bd, bi, th=th: (bd, bi, th),
                bd, bi)
          return bd, bi, th

        bd, bi, th = lax.cond(
            hit, slow, lambda bd, bi, th, pbase, *ds: (bd, bi, th),
            bd, bi, th, pbase, *ds)

        cc2 = cc + _GPTS
        wrap = cc2 >= _CN
        r2 = jnp.where(wrap, r + 1, r)
        cc3 = jnp.where(wrap, 0, cc2)
        return bd, bi, th, r2, cc3

      if ck == 0:
        for u in range(_G):
          x0 = xb[0, pl.ds(u * _L, _L)]
          y0 = yb[0, pl.ds(u * _L, _L)]
          dx0 = x0 - gx
          dy0 = y0 - gy
          d0 = dx0 * dx0 + dy0 * dy0
          i0 = hbase + u * _L + iota
          best_d, best_i = _merge16(best_d, best_i, d0, i0)
        thr = jnp.max(best_d)
        g_lo, cc0 = 1, _GPTS
      else:
        g_lo, cc0 = 0, 0

      best_d, best_i, thr, _, _ = lax.fori_loop(
          g_lo, _NGROUP, group_body,
          (best_d, best_i, thr, jnp.int32(0), jnp.int32(cc0)))

    dv[...] = best_d
    iv[...] = best_i
    pltpu.sync_copy(dv, dsh.at[s])
    pltpu.sync_copy(iv, ish.at[s])
    plsc.subcore_barrier()

    @pl.when(h == 0)
    def _():
      pltpu.sync_copy(dsh.at[s + 8], dv2)
      pltpu.sync_copy(ish.at[s + 8], iv2)
      nd, ni = _merge16(best_d, best_i, dv2[...], iv2[...])
      iv[...] = ni
      pltpu.sync_copy(iv, out_hbm.at[pl.ds(b * _K, _K)])

  return scan_kernel(lgp, xs, ys)


def _mlp_kernel(lgp_ref, nc_ref, np_ref, w1_ref, b1_ref, w2_ref, b2_ref,
                w3_ref, b3_ref, out_ref):
  inv_k = jnp.float32(1.0 / _K)
  mean_xy = jnp.sum(nc_ref[...], axis=1) * inv_k
  mean_p = jnp.sum(np_ref[...], axis=1) * inv_k
  lgp = jnp.broadcast_to(lgp_ref[...], (_B, 2))
  x = jnp.concatenate([lgp, mean_xy, mean_p], axis=1)
  h = jnp.maximum(
      jnp.dot(x, w1_ref[...], preferred_element_type=jnp.float32)
      + b1_ref[...], 0.0)
  h = jnp.maximum(
      jnp.dot(h, w2_ref[...], preferred_element_type=jnp.float32)
      + b2_ref[...], 0.0)
  out_ref[...] = (
      jnp.dot(h, w3_ref[...], preferred_element_type=jnp.float32)
      + b3_ref[...])


def kernel(latent_grid_point, coords, params, W1, b1, W2, b2, W3, b3):
  pad = ((0, 0), (0, _NPAD - _N))
  xs = jnp.pad(coords[:, :, 0], pad,
               constant_values=_PAD_VAL).reshape(_B, _ROWS, _RN)
  ys = jnp.pad(coords[:, :, 1], pad,
               constant_values=_PAD_VAL).reshape(_B, _ROWS, _RN)
  idx = _sc_topk_idx(latent_grid_point, xs, ys).reshape(_B, _K)

  idxe = idx[:, :, None]
  ncoords = jnp.take_along_axis(coords[:, :, :2], idxe, axis=1)
  nparams = jnp.take_along_axis(params, idxe, axis=1)

  out = pl.pallas_call(
      _mlp_kernel,
      out_shape=jax.ShapeDtypeStruct((_B, 64), jnp.float32),
  )(latent_grid_point.reshape(1, 2), ncoords, nparams,
    W1, b1.reshape(1, 128), W2, b2.reshape(1, 128), W3, b3.reshape(1, 64))
  return out

# --- scband reference (transcript-rebuilt; emitter-appended) ---
"""Pipeline reference for scband-simple-encoder-81312320848131 (READ-ONLY COPY).

The authoritative reference and input builder live on the scoring server;
editing this copy changes nothing except your own understanding.
"""

import jax, jax.numpy as jnp
import numpy as np

LATENT_DIM = 64
K = 16

def setup_inputs(seed: int = 0) -> dict:
    key = jax.random.key(seed)
    ks = jax.random.split(key, 8)
    B, N, DC, DP = 16, 100000, 3, 8
    latent_grid_point = jax.random.uniform(ks[0], (2,), dtype=jnp.float32)
    coords = jax.random.uniform(ks[1], (B, N, DC), dtype=jnp.float32)
    params = jax.random.normal(ks[2], (B, N, DP), dtype=jnp.float32)
    din = 4 + DP
    W1 = jax.random.normal(ks[3], (din, 128), dtype=jnp.float32) * (1.0 / np.sqrt(din))
    b1 = jnp.zeros((128,), jnp.float32)
    W2 = jax.random.normal(ks[4], (128, 128), dtype=jnp.float32) * (1.0 / np.sqrt(128))
    b2 = jnp.zeros((128,), jnp.float32)
    W3 = jax.random.normal(ks[5], (128, LATENT_DIM), dtype=jnp.float32) * (1.0 / np.sqrt(128))
    b3 = jnp.zeros((LATENT_DIM,), jnp.float32)
    return {"latent_grid_point": latent_grid_point, "coords": coords, "params": params,
            "W1": W1, "b1": b1, "W2": W2, "b2": b2, "W3": W3, "b3": b3}

def reference(latent_grid_point, coords, params, W1, b1, W2, b2, W3, b3):
    coords_xy = coords[..., :2]
    dists = jnp.sum((latent_grid_point - coords_xy) ** 2, axis=-1)
    idx = jnp.argsort(dists, axis=1)[:, :K]
    idx_expanded = jnp.expand_dims(idx, axis=2)
    neighbor_coords = jnp.take_along_axis(coords, idx_expanded, axis=1)
    neighbor_params = jnp.take_along_axis(params, idx_expanded, axis=1)
    mean_coords = jnp.mean(neighbor_coords, axis=1)
    mean_params = jnp.mean(neighbor_params, axis=1)
    latent_grid_b = jnp.broadcast_to(latent_grid_point, (coords.shape[0], 2))
    enc_inp = jnp.concatenate([latent_grid_b, mean_coords[..., :2], mean_params], axis=-1)
    h = jax.nn.relu(enc_inp @ W1 + b1)
    h = jax.nn.relu(h @ W2 + b2)
    out = h @ W3 + b3
    return out

if __name__ == "__main__":
    import jax
    _d = setup_inputs()
    print(jax.jit(kernel)(*tuple(_d.values())))

</pallas_src>

<mosaic_0001>
#map = affine_map<(d0, d1) -> (0)>
#map1 = affine_map<(d0, d1) -> (0, 0, 0)>
module attributes {stable_mosaic.version = 14 : i64} {
  func.func @scan_kernel(%arg0: i32, %arg1: i32, %arg2: memref<2xf32, #tpu.memory_space<hbm>>, %arg3: memref<16x8x12800xf32, #tpu.memory_space<hbm>>, %arg4: memref<16x8x12800xf32, #tpu.memory_space<hbm>>, %arg5: memref<256xi32, #tpu.memory_space<hbm>>, %arg6: memref<8x3200xf32, #tpu.memory_space<vmem>>, %arg7: memref<8x3200xf32, #tpu.memory_space<vmem>>, %arg8: memref<8x3200xf32, #tpu.memory_space<vmem>>, %arg9: memref<8x3200xf32, #tpu.memory_space<vmem>>, %arg10: memref<16xf32, #tpu.memory_space<vmem>>, %arg11: memref<16xf32, #tpu.memory_space<vmem>>, %arg12: memref<16xi32, #tpu.memory_space<vmem>>, %arg13: memref<16xf32, #tpu.memory_space<vmem>>, %arg14: memref<16xi32, #tpu.memory_space<vmem>>, %arg15: memref<16x16xf32, #tpu.memory_space<vmem_shared>>, %arg16: memref<16x16xi32, #tpu.memory_space<vmem_shared>>, %arg17: memref<!tpu.dma_semaphore, #tpu.memory_space<semaphore_mem>>, %arg18: memref<!tpu.dma_semaphore, #tpu.memory_space<semaphore_mem>>, %arg19: memref<!tpu.dma_semaphore, #tpu.memory_space<semaphore_mem>>, %arg20: memref<!tpu.dma_semaphore, #tpu.memory_space<semaphore_mem>>, %arg21: memref<!tpu.dma_semaphore, #tpu.memory_space<semaphore_mem>>) attributes {dimension_semantics = [#tpu.dimension_semantics<core_parallel>, #tpu.dimension_semantics<subcore_parallel>], iteration_bounds = array<i64: 2, 16>, scalar_prefetch = 0 : i64, scratch_operands = 16 : i64, tpu.core_type = #tpu.core_type<sc_vector_subcore>, window_params = [{transform_indices = #map}, {transform_indices = #map1}, {transform_indices = #map1}, {transform_indices = #map}]} {
    %mul3A = arith.constant 8 : i32
    %mul3A_0 = arith.muli %arg0, %mul3A : i32
    %rem3A = arith.constant 8 : i32
    %rem3A_1 = arith.remsi %arg1, %rem3A : i32
    %add3A = arith.addi %mul3A_0, %rem3A_1 : i32
    %jit3A = arith.constant 8 : i32
    %div3A = arith.divsi %arg1, %jit3A : i32
    %sign3A = arith.constant 0 : i32
    %sign3A_2 = arith.cmpi sgt, %arg1, %sign3A : i32
    %sign3A_3 = arith.extui %sign3A_2 : i1 to i32
    %sign3A_4 = arith.constant 0 : i32
    %sign3A_5 = arith.cmpi slt, %arg1, %sign3A_4 : i32
    %sign3A_6 = arith.extui %sign3A_5 : i1 to i32
    %sign3A_7 = arith.subi %sign3A_3, %sign3A_6 : i32
    %sign3A_8 = arith.constant 0 : i32
    %sign3A_9 = arith.cmpi sgt, %jit3A, %sign3A_8 : i32
    %sign3A_10 = arith.extui %sign3A_9 : i1 to i32
    %sign3A_11 = arith.constant 0 : i32
    %sign3A_12 = arith.cmpi slt, %jit3A, %sign3A_11 : i32
    %sign3A_13 = arith.extui %sign3A_12 : i1 to i32
    %sign3A_14 = arith.subi %sign3A_10, %sign3A_13 : i32
    %ne3A = arith.cmpi ne, %sign3A_7, %sign3A_14 : i32
    %rem3A_15 = arith.remsi %arg1, %jit3A : i32
    %ne3A_16 = arith.constant 0 : i32
    %ne3A_17 = arith.cmpi ne, %rem3A_15, %ne3A_16 : i32
    %and3A = arith.andi %ne3A, %ne3A_17 : i1
    %sub3A = arith.constant 1 : i32
    %sub3A_18 = arith.subi %div3A, %sub3A : i32
    %select_n3A = arith.select %and3A, %sub3A_18, %div3A : i32
    %iota3A = tpu.iota {dimensions = array<i32: 0>} : vector<16xi32>
    "tpu.region"() ({
      %run_scoped3A = tpu.sem_alloc : memref<!tpu.dma_semaphore, #tpu.memory_space<semaphore_mem>>
      %dma_start3A_421 = arith.constant 0 : i32
      %dma_start3A_422 = tpu.memref_slice %arg10[%dma_start3A_421] : memref<16xf32, #tpu.memory_space<vmem>> -> memref<2xf32, #tpu.memory_space<vmem>>
      %dma_start3A_423 = arith.constant 0 : i32
      %dma_start3A_424 = tpu.memref_slice %arg10[%dma_start3A_423] : memref<16xf32, #tpu.memory_space<vmem>> -> memref<2xf32, #tpu.memory_space<vmem>>
      tpu.enqueue_dma source(%arg2 : memref<2xf32, #tpu.memory_space<hbm>>) target(%dma_start3A_424 : memref<2xf32, #tpu.memory_space<vmem>>) target_semaphore(%run_scoped3A : memref<!tpu.dma_semaphore, #tpu.memory_space<semaphore_mem>>)
      %dma_wait3A_425 = arith.constant 0 : i32
      %dma_wait3A_426 = tpu.memref_slice %arg10[%dma_wait3A_425] : memref<16xf32, #tpu.memory_space<vmem>> -> memref<2xf32, #tpu.memory_space<vmem>>
      %dma_wait3A_427 = arith.constant 0 : i32
      %dma_wait3A_428 = tpu.memref_slice %arg10[%dma_wait3A_427] : memref<16xf32, #tpu.memory_space<vmem>> -> memref<2xf32, #tpu.memory_space<vmem>>
      tpu.wait_dma2 semaphore(%run_scoped3A : memref<!tpu.dma_semaphore, #tpu.memory_space<semaphore_mem>>) src(%arg2 : memref<2xf32, #tpu.memory_space<hbm>>) dst(%dma_wait3A_428 : memref<2xf32, #tpu.memory_space<vmem>>)
      tpu.yield
    }) : () -> ()
    %get3A = arith.constant 0 : index
    %get3A_19 = tpu.vector_load %arg10[%get3A] {strides = array<i32>} : memref<16xf32, #tpu.memory_space<vmem>>, vector<16xf32>,
    %slice3A = vector.extract_strided_slice %get3A_19 {offsets = [0], sizes = [1], strides = [1]} : vector<16xf32> to vector<1xf32>
    %squeeze3A = vector.extract %slice3A[0] : f32 from vector<1xf32>
    %slice3A_20 = vector.extract_strided_slice %get3A_19 {offsets = [1], sizes = [1], strides = [1]} : vector<16xf32> to vector<1xf32>
    %squeeze3A_21 = vector.extract %slice3A_20[0] : f32 from vector<1xf32>
    %mul3A_22 = arith.constant 6400 : i32
    %mul3A_23 = arith.muli %select_n3A, %mul3A_22 : i32
    %dma_start3A = arith.constant 0 : i32
    %dma_start3A_24 = tpu.memref_slice %arg3[%add3A, %dma_start3A, %mul3A_23] : memref<16x8x12800xf32, #tpu.memory_space<hbm>> -> memref<1x8x3200xf32, #tpu.memory_space<hbm>>
    %dma_start3A_25 = tpu.memref_squeeze %dma_start3A_24 : memref<1x8x3200xf32, #tpu.memory_space<hbm>> -> memref<8x3200xf32, #tpu.memory_space<hbm>>
    %dma_start3A_26 = arith.constant 0 : i32
    %dma_start3A_27 = tpu.memref_slice %arg3[%add3A, %dma_start3A_26, %mul3A_23] : memref<16x8x12800xf32, #tpu.memory_space<hbm>> -> memref<1x8x3200xf32, #tpu.memory_space<hbm>>
    %dma_start3A_28 = tpu.memref_squeeze %dma_start3A_27 : memref<1x8x3200xf32, #tpu.memory_space<hbm>> -> memref<8x3200xf32, #tpu.memory_space<hbm>>
    tpu.enqueue_dma source(%dma_start3A_28 : memref<8x3200xf32, #tpu.memory_space<hbm>>) target(%arg6 : memref<8x3200xf32, #tpu.memory_space<vmem>>) target_semaphore(%arg17 : memref<!tpu.dma_semaphore, #tpu.memory_space<semaphore_mem>>)
    %dma_start3A_29 = arith.constant 0 : i32
    %dma_start3A_30 = tpu.memref_slice %arg4[%add3A, %dma_start3A_29, %mul3A_23] : memref<16x8x12800xf32, #tpu.memory_space<hbm>> -> memref<1x8x3200xf32, #tpu.memory_space<hbm>>
    %dma_start3A_31 = tpu.memref_squeeze %dma_start3A_30 : memref<1x8x3200xf32, #tpu.memory_space<hbm>> -> memref<8x3200xf32, #tpu.memory_space<hbm>>
    %dma_start3A_32 = arith.constant 0 : i32
    %dma_start3A_33 = tpu.memref_slice %arg4[%add3A, %dma_start3A_32, %mul3A_23] : memref<16x8x12800xf32, #tpu.memory_space<hbm>> -> memref<1x8x3200xf32, #tpu.memory_space<hbm>>
    %dma_start3A_34 = tpu.memref_squeeze %dma_start3A_33 : memref<1x8x3200xf32, #tpu.memory_space<hbm>> -> memref<8x3200xf32, #tpu.memory_space<hbm>>
    tpu.enqueue_dma source(%dma_start3A_34 : memref<8x3200xf32, #tpu.memory_space<hbm>>) target(%arg8 : memref<8x3200xf32, #tpu.memory_space<vmem>>) target_semaphore(%arg19 : memref<!tpu.dma_semaphore, #tpu.memory_space<semaphore_mem>>)
    %broadcast_in_dim3A = arith.constant 0x7F800000 : f32
    %broadcast_in_dim3A_35 = vector.broadcast %broadcast_in_dim3A : f32 to vector<16xf32>
    %broadcast_in_dim3A_36 = arith.constant 0 : i32
    %broadcast_in_dim3A_37 = vector.broadcast %broadcast_in_dim3A_36 : i32 to vector<16xi32>
    %dma_wait3A = arith.constant 0 : i32
    %dma_wait3A_38 = tpu.memref_slice %arg3[%add3A, %dma_wait3A, %mul3A_23] : memref<16x8x12800xf32, #tpu.memory_space<hbm>> -> memref<1x8x3200xf32, #tpu.memory_space<hbm>>
    %dma_wait3A_39 = tpu.memref_squeeze %dma_wait3A_38 : memref<1x8x3200xf32, #tpu.memory_space<hbm>> -> memref<8x3200xf32, #tpu.memory_space<hbm>>
    %dma_wait3A_40 = arith.constant 0 : i32
    %dma_wait3A_41 = tpu.memref_slice %arg3[%add3A, %dma_wait3A_40, %mul3A_23] : memref<16x8x12800xf32, #tpu.memory_space<hbm>> -> memref<1x8x3200xf32, #tpu.memory_space<hbm>>
    %dma_wait3A_42 = tpu.memref_squeeze %dma_wait3A_41 : memref<1x8x3200xf32, #tpu.memory_space<hbm>> -> memref<8x3200xf32, #tpu.memory_space<hbm>>
    tpu.wait_dma2 semaphore(%arg17 : memref<!tpu.dma_semaphore, #tpu.memory_space<semaphore_mem>>) src(%dma_wait3A_42 : memref<8x3200xf32, #tpu.memory_space<hbm>>) dst(%arg6 : memref<8x3200xf32, #tpu.memory_space<vmem>>)
    %dma_wait3A_43 = arith.constant 0 : i32
    %dma_wait3A_44 = tpu.memref_slice %arg4[%add3A, %dma_wait3A_43, %mul3A_23] : memref<16x8x12800xf32, #tpu.memory_space<hbm>> -> memref<1x8x3200xf32, #tpu.memory_space<hbm>>
    %dma_wait3A_45 = tpu.memref_squeeze %dma_wait3A_44 : memref<1x8x3200xf32, #tpu.memory_space<hbm>> -> memref<8x3200xf32, #tpu.memory_space<hbm>>
    %dma_wait3A_46 = arith.constant 0 : i32
    %dma_wait3A_47 = tpu.memref_slice %arg4[%add3A, %dma_wait3A_46, %mul3A_23] : memref<16x8x12800xf32, #tpu.memory_space<hbm>> -> memref<1x8x3200xf32, #tpu.memory_space<hbm>>
    %dma_wait3A_48 = tpu.memref_squeeze %dma_wait3A_47 : memref<1x8x3200xf32, #tpu.memory_space<hbm>> -> memref<8x3200xf32, #tpu.memory_space<hbm>>
    tpu.wait_dma2 semaphore(%arg19 : memref<!tpu.dma_semaphore, #tpu.memory_space<semaphore_mem>>) src(%dma_wait3A_48 : memref<8x3200xf32, #tpu.memory_space<hbm>>) dst(%arg8 : memref<8x3200xf32, #tpu.memory_space<vmem>>)
    %add3A_49 = arith.constant 3200 : i32
    %add3A_50 = arith.addi %mul3A_23, %add3A_49 : i32
    %dma_start3A_51 = arith.constant 0 : i32
    %dma_start3A_52 = tpu.memref_slice %arg3[%add3A, %dma_start3A_51, %add3A_50] : memref<16x8x12800xf32, #tpu.memory_space<hbm>> -> memref<1x8x3200xf32, #tpu.memory_space<hbm>>
    %dma_start3A_53 = tpu.memref_squeeze %dma_start3A_52 : memref<1x8x3200xf32, #tpu.memory_space<hbm>> -> memref<8x3200xf32, #tpu.memory_space<hbm>>
    %dma_start3A_54 = arith.constant 0 : i32
    %dma_start3A_55 = tpu.memref_slice %arg3[%add3A, %dma_start3A_54, %add3A_50] : memref<16x8x12800xf32, #tpu.memory_space<hbm>> -> memref<1x8x3200xf32, #tpu.memory_space<hbm>>
    %dma_start3A_56 = tpu.memref_squeeze %dma_start3A_55 : memref<1x8x3200xf32, #tpu.memory_space<hbm>> -> memref<8x3200xf32, #tpu.memory_space<hbm>>
    tpu.enqueue_dma source(%dma_start3A_56 : memref<8x3200xf32, #tpu.memory_space<hbm>>) target(%arg7 : memref<8x3200xf32, #tpu.memory_space<vmem>>) target_semaphore(%arg18 : memref<!tpu.dma_semaphore, #tpu.memory_space<semaphore_mem>>)
    %add3A_57 = arith.constant 3200 : i32
    %add3A_58 = arith.addi %mul3A_23, %add3A_57 : i32
    %dma_start3A_59 = arith.constant 0 : i32
    %dma_start3A_60 = tpu.memref_slice %arg4[%add3A, %dma_start3A_59, %add3A_58] : memref<16x8x12800xf32, #tpu.memory_space<hbm>> -> memref<1x8x3200xf32, #tpu.memory_space<hbm>>
    %dma_start3A_61 = tpu.memref_squeeze %dma_start3A_60 : memref<1x8x3200xf32, #tpu.memory_space<hbm>> -> memref<8x3200xf32, #tpu.memory_space<hbm>>
    %dma_start3A_62 = arith.constant 0 : i32
    %dma_start3A_63 = tpu.memref_slice %arg4[%add3A, %dma_start3A_62, %add3A_58] : memref<16x8x12800xf32, #tpu.memory_space<hbm>> -> memref<1x8x3200xf32, #tpu.memory_space<hbm>>
    %dma_start3A_64 = tpu.memref_squeeze %dma_start3A_63 : memref<1x8x3200xf32, #tpu.memory_space<hbm>> -> memref<8x3200xf32, #tpu.memory_space<hbm>>
    tpu.enqueue_dma source(%dma_start3A_64 : memref<8x3200xf32, #tpu.memory_space<hbm>>) target(%arg9 : memref<8x3200xf32, #tpu.memory_space<vmem>>) target_semaphore(%arg20 : memref<!tpu.dma_semaphore, #tpu.memory_space<semaphore_mem>>)
    %add3A_65 = arith.constant 0 : i32
    %add3A_66 = arith.addi %mul3A_23, %add3A_65 : i32
    %get3A_67 = arith.constant 0 : i32
    %get3A_68 = arith.index_cast %get3A_67 : i32 to index
    %get3A_69 = arith.constant 0 : index
    %get3A_70 = tpu.vector_load %arg6[%get3A_68, %get3A_69] {strides = array<i32>} : memref<8x3200xf32, #tpu.memory_space<vmem>>, vector<16xf32>,
    %get3A_71 = arith.constant 0 : i32
    %get3A_72 = arith.index_cast %get3A_71 : i32 to index
    %get3A_73 = arith.constant 0 : index
    %get3A_74 = tpu.vector_load %arg8[%get3A_72, %get3A_73] {strides = array<i32>} : memref<8x3200xf32, #tpu.memory_space<vmem>>, vector<16xf32>,
    %sub3A_75 = vector.broadcast %squeeze3A : f32 to vector<16xf32>
    %sub3A_76 = arith.subf %get3A_70, %sub3A_75 : vector<16xf32>
    %sub3A_77 = vector.broadcast %squeeze3A_21 : f32 to vector<16xf32>
    %sub3A_78 = arith.subf %get3A_74, %sub3A_77 : vector<16xf32>
    %mul3A_79 = arith.mulf %sub3A_76, %sub3A_76 : vector<16xf32>
    %mul3A_80 = arith.mulf %sub3A_78, %sub3A_78 : vector<16xf32>
    %add3A_81 = arith.addf %mul3A_79, %mul3A_80 : vector<16xf32>
    %add3A_82 = arith.constant 0 : i32
    %add3A_83 = arith.addi %mul3A_23, %add3A_82 : i32
    %add3A_84 = vector.broadcast %add3A_83 : i32 to vector<16xi32>
    %add3A_85 = arith.addi %add3A_84, %iota3A : vector<16xi32>
    %masked_sort3A = arith.constant dense<true> : vector<16xi1>
    %masked_sort3A_86, %masked_sort3A_87, %masked_sort3A_88 = tpu.sort %add3A_81, %add3A_85 masked %masked_sort3A : (vector<16xf32>, vector<16xi32>, vector<16xi1>) -> (vector<16xi1>, vector<16xf32>, vector<16xi32>)
    %rev3A = arith.constant 15 : i32
    %rev3A_89 = vector.broadcast %rev3A : i32 to vector<16xi32>
    %rev3A_90 = tpu.iota {dimensions = array<i32: 0>} : vector<16xi32>
    %rev3A_91 = arith.subi %rev3A_89, %rev3A_90 : vector<16xi32>
    %rev3A_92 = tpu.dynamic_gather %masked_sort3A_87[%rev3A_91] in [0] : vector<16xf32>, vector<16xi32> -> vector<16xf32>
    %rev3A_93 = arith.constant 15 : i32
    %rev3A_94 = vector.broadcast %rev3A_93 : i32 to vector<16xi32>
    %rev3A_95 = tpu.iota {dimensions = array<i32: 0>} : vector<16xi32>
    %rev3A_96 = arith.subi %rev3A_94, %rev3A_95 : vector<16xi32>
    %rev3A_97 = tpu.dynamic_gather %masked_sort3A_88[%rev3A_96] in [0] : vector<16xi32>, vector<16xi32> -> vector<16xi32>
    %le3A = arith.cmpf ole, %broadcast_in_dim3A_35, %rev3A_92 : vector<16xf32>
    %select_n3A_98 = arith.select %le3A, %broadcast_in_dim3A_35, %rev3A_92 : vector<16xi1>, vector<16xf32>
    %select_n3A_99 = arith.select %le3A, %broadcast_in_dim3A_37, %rev3A_97 : vector<16xi1>, vector<16xi32>
    %masked_sort3A_100 = arith.constant dense<true> : vector<16xi1>
    %masked_sort3A_101, %masked_sort3A_102, %masked_sort3A_103 = tpu.sort %select_n3A_98, %select_n3A_99 masked %masked_sort3A_100 : (vector<16xf32>, vector<16xi32>, vector<16xi1>) -> (vector<16xi1>, vector<16xf32>, vector<16xi32>)
    %get3A_104 = arith.constant 0 : i32
    %get3A_105 = arith.index_cast %get3A_104 : i32 to index
    %get3A_106 = arith.constant 16 : index
    %get3A_107 = tpu.vector_load %arg6[%get3A_105, %get3A_106] {strides = array<i32>} : memref<8x3200xf32, #tpu.memory_space<vmem>>, vector<16xf32>,
    %get3A_108 = arith.constant 0 : i32
    %get3A_109 = arith.index_cast %get3A_108 : i32 to index
    %get3A_110 = arith.constant 16 : index
    %get3A_111 = tpu.vector_load %arg8[%get3A_109, %get3A_110] {strides = array<i32>} : memref<8x3200xf32, #tpu.memory_space<vmem>>, vector<16xf32>,
    %sub3A_112 = vector.broadcast %squeeze3A : f32 to vector<16xf32>
    %sub3A_113 = arith.subf %get3A_107, %sub3A_112 : vector<16xf32>
    %sub3A_114 = vector.broadcast %squeeze3A_21 : f32 to vector<16xf32>
    %sub3A_115 = arith.subf %get3A_111, %sub3A_114 : vector<16xf32>
    %mul3A_116 = arith.mulf %sub3A_113, %sub3A_113 : vector<16xf32>
    %mul3A_117 = arith.mulf %sub3A_115, %sub3A_115 : vector<16xf32>
    %add3A_118 = arith.addf %mul3A_116, %mul3A_117 : vector<16xf32>
    %add3A_119 = arith.constant 16 : i32
    %add3A_120 = arith.addi %mul3A_23, %add3A_119 : i32
    %add3A_121 = vector.broadcast %add3A_120 : i32 to vector<16xi32>
    %add3A_122 = arith.addi %add3A_121, %iota3A : vector<16xi32>
    %masked_sort3A_123 = arith.constant dense<true> : vector<16xi1>
    %masked_sort3A_124, %masked_sort3A_125, %masked_sort3A_126 = tpu.sort %add3A_118, %add3A_122 masked %masked_sort3A_123 : (vector<16xf32>, vector<16xi32>, vector<16xi1>) -> (vector<16xi1>, vector<16xf32>, vector<16xi32>)
    %rev3A_127 = arith.constant 15 : i32
    %rev3A_128 = vector.broadcast %rev3A_127 : i32 to vector<16xi32>
    %rev3A_129 = tpu.iota {dimensions = array<i32: 0>} : vector<16xi32>
    %rev3A_130 = arith.subi %rev3A_128, %rev3A_129 : vector<16xi32>
    %rev3A_131 = tpu.dynamic_gather %masked_sort3A_125[%rev3A_130] in [0] : vector<16xf32>, vector<16xi32> -> vector<16xf32>
    %rev3A_132 = arith.constant 15 : i32
    %rev3A_133 = vector.broadcast %rev3A_132 : i32 to vector<16xi32>
    %rev3A_134 = tpu.iota {dimensions = array<i32: 0>} : vector<16xi32>
    %rev3A_135 = arith.subi %rev3A_133, %rev3A_134 : vector<16xi32>
    %rev3A_136 = tpu.dynamic_gather %masked_sort3A_126[%rev3A_135] in [0] : vector<16xi32>, vector<16xi32> -> vector<16xi32>
    %le3A_137 = arith.cmpf ole, %masked_sort3A_102, %rev3A_131 : vector<16xf32>
    %select_n3A_138 = arith.select %le3A_137, %masked_sort3A_102, %rev3A_131 : vector<16xi1>, vector<16xf32>
    %select_n3A_139 = arith.select %le3A_137, %masked_sort3A_103, %rev3A_136 : vector<16xi1>, vector<16xi32>
    %masked_sort3A_140 = arith.constant dense<true> : vector<16xi1>
    %masked_sort3A_141, %masked_sort3A_142, %masked_sort3A_143 = tpu.sort %select_n3A_138, %select_n3A_139 masked %masked_sort3A_140 : (vector<16xf32>, vector<16xi32>, vector<16xi1>) -> (vector<16xi1>, vector<16xf32>, vector<16xi32>)
    %get3A_144 = arith.constant 0 : i32
    %get3A_145 = arith.index_cast %get3A_144 : i32 to index
    %get3A_146 = arith.constant 32 : index
    %get3A_147 = tpu.vector_load %arg6[%get3A_145, %get3A_146] {strides = array<i32>} : memref<8x3200xf32, #tpu.memory_space<vmem>>, vector<16xf32>,
    %get3A_148 = arith.constant 0 : i32
    %get3A_149 = arith.index_cast %get3A_148 : i32 to index
    %get3A_150 = arith.constant 32 : index
    %get3A_151 = tpu.vector_load %arg8[%get3A_149, %get3A_150] {strides = array<i32>} : memref<8x3200xf32, #tpu.memory_space<vmem>>, vector<16xf32>,
    %sub3A_152 = vector.broadcast %squeeze3A : f32 to vector<16xf32>
    %sub3A_153 = arith.subf %get3A_147, %sub3A_152 : vector<16xf32>
    %sub3A_154 = vector.broadcast %squeeze3A_21 : f32 to vector<16xf32>
    %sub3A_155 = arith.subf %get3A_151, %sub3A_154 : vector<16xf32>
    %mul3A_156 = arith.mulf %sub3A_153, %sub3A_153 : vector<16xf32>
    %mul3A_157 = arith.mulf %sub3A_155, %sub3A_155 : vector<16xf32>
    %add3A_158 = arith.addf %mul3A_156, %mul3A_157 : vector<16xf32>
    %add3A_159 = arith.constant 32 : i32
    %add3A_160 = arith.addi %mul3A_23, %add3A_159 : i32
    %add3A_161 = vector.broadcast %add3A_160 : i32 to vector<16xi32>
    %add3A_162 = arith.addi %add3A_161, %iota3A : vector<16xi32>
    %masked_sort3A_163 = arith.constant dense<true> : vector<16xi1>
    %masked_sort3A_164, %masked_sort3A_165, %masked_sort3A_166 = tpu.sort %add3A_158, %add3A_162 masked %masked_sort3A_163 : (vector<16xf32>, vector<16xi32>, vector<16xi1>) -> (vector<16xi1>, vector<16xf32>, vector<16xi32>)
    %rev3A_167 = arith.constant 15 : i32
    %rev3A_168 = vector.broadcast %rev3A_167 : i32 to vector<16xi32>
    %rev3A_169 = tpu.iota {dimensions = array<i32: 0>} : vector<16xi32>
    %rev3A_170 = arith.subi %rev3A_168, %rev3A_169 : vector<16xi32>
    %rev3A_171 = tpu.dynamic_gather %masked_sort3A_165[%rev3A_170] in [0] : vector<16xf32>, vector<16xi32> -> vector<16xf32>
    %rev3A_172 = arith.constant 15 : i32
    %rev3A_173 = vector.broadcast %rev3A_172 : i32 to vector<16xi32>
    %rev3A_174 = tpu.iota {dimensions = array<i32: 0>} : vector<16xi32>
    %rev3A_175 = arith.subi %rev3A_173, %rev3A_174 : vector<16xi32>
    %rev3A_176 = tpu.dynamic_gather %masked_sort3A_166[%rev3A_175] in [0] : vector<16xi32>, vector<16xi32> -> vector<16xi32>
    %le3A_177 = arith.cmpf ole, %masked_sort3A_142, %rev3A_171 : vector<16xf32>
    %select_n3A_178 = arith.select %le3A_177, %masked_sort3A_142, %rev3A_171 : vector<16xi1>, vector<16xf32>
    %select_n3A_179 = arith.select %le3A_177, %masked_sort3A_143, %rev3A_176 : vector<16xi1>, vector<16xi32>
    %masked_sort3A_180 = arith.constant dense<true> : vector<16xi1>
    %masked_sort3A_181, %masked_sort3A_182, %masked_sort3A_183 = tpu.sort %select_n3A_178, %select_n3A_179 masked %masked_sort3A_180 : (vector<16xf32>, vector<16xi32>, vector<16xi1>) -> (vector<16xi1>, vector<16xf32>, vector<16xi32>)
    %get3A_184 = arith.constant 0 : i32
    %get3A_185 = arith.index_cast %get3A_184 : i32 to index
    %get3A_186 = arith.constant 48 : index
    %get3A_187 = tpu.vector_load %arg6[%get3A_185, %get3A_186] {strides = array<i32>} : memref<8x3200xf32, #tpu.memory_space<vmem>>, vector<16xf32>,
    %get3A_188 = arith.constant 0 : i32
    %get3A_189 = arith.index_cast %get3A_188 : i32 to index
    %get3A_190 = arith.constant 48 : index
    %get3A_191 = tpu.vector_load %arg8[%get3A_189, %get3A_190] {strides = array<i32>} : memref<8x3200xf32, #tpu.memory_space<vmem>>, vector<16xf32>,
    %sub3A_192 = vector.broadcast %squeeze3A : f32 to vector<16xf32>
    %sub3A_193 = arith.subf %get3A_187, %sub3A_192 : vector<16xf32>
    %sub3A_194 = vector.broadcast %squeeze3A_21 : f32 to vector<16xf32>
    %sub3A_195 = arith.subf %get3A_191, %sub3A_194 : vector<16xf32>
    %mul3A_196 = arith.mulf %sub3A_193, %sub3A_193 : vector<16xf32>
    %mul3A_197 = arith.mulf %sub3A_195, %sub3A_195 : vector<16xf32>
    %add3A_198 = arith.addf %mul3A_196, %mul3A_197 : vector<16xf32>
    %add3A_199 = arith.constant 48 : i32
    %add3A_200 = arith.addi %mul3A_23, %add3A_199 : i32
    %add3A_201 = vector.broadcast %add3A_200 : i32 to vector<16xi32>
    %add3A_202 = arith.addi %add3A_201, %iota3A : vector<16xi32>
    %masked_sort3A_203 = arith.constant dense<true> : vector<16xi1>
    %masked_sort3A_204, %masked_sort3A_205, %masked_sort3A_206 = tpu.sort %add3A_198, %add3A_202 masked %masked_sort3A_203 : (vector<16xf32>, vector<16xi32>, vector<16xi1>) -> (vector<16xi1>, vector<16xf32>, vector<16xi32>)
    %rev3A_207 = arith.constant 15 : i32
    %rev3A_208 = vector.broadcast %rev3A_207 : i32 to vector<16xi32>
    %rev3A_209 = tpu.iota {dimensions = array<i32: 0>} : vector<16xi32>
    %rev3A_210 = arith.subi %rev3A_208, %rev3A_209 : vector<16xi32>
    %rev3A_211 = tpu.dynamic_gather %masked_sort3A_205[%rev3A_210] in [0] : vector<16xf32>, vector<16xi32> -> vector<16xf32>
    %rev3A_212 = arith.constant 15 : i32
    %rev3A_213 = vector.broadcast %rev3A_212 : i32 to vector<16xi32>
    %rev3A_214 = tpu.iota {dimensions = array<i32: 0>} : vector<16xi32>
    %rev3A_215 = arith.subi %rev3A_213, %rev3A_214 : vector<16xi32>
    %rev3A_216 = tpu.dynamic_gather %masked_sort3A_206[%rev3A_215] in [0] : vector<16xi32>, vector<16xi32> -> vector<16xi32>
    %le3A_217 = arith.cmpf ole, %masked_sort3A_182, %rev3A_211 : vector<16xf32>
    %select_n3A_218 = arith.select %le3A_217, %masked_sort3A_182, %rev3A_211 : vector<16xi1>, vector<16xf32>
    %select_n3A_219 = arith.select %le3A_217, %masked_sort3A_183, %rev3A_216 : vector<16xi1>, vector<16xi32>
    %masked_sort3A_220 = arith.constant dense<true> : vector<16xi1>
    %masked_sort3A_221, %masked_sort3A_222, %masked_sort3A_223 = tpu.sort %select_n3A_218, %select_n3A_219 masked %masked_sort3A_220 : (vector<16xf32>, vector<16xi32>, vector<16xi1>) -> (vector<16xi1>, vector<16xf32>, vector<16xi32>)
    %get3A_224 = arith.constant 0 : i32
    %get3A_225 = arith.index_cast %get3A_224 : i32 to index
    %get3A_226 = arith.constant 64 : index
    %get3A_227 = tpu.vector_load %arg6[%get3A_225, %get3A_226] {strides = array<i32>} : memref<8x3200xf32, #tpu.memory_space<vmem>>, vector<16xf32>,
    %get3A_228 = arith.constant 0 : i32
    %get3A_229 = arith.index_cast %get3A_228 : i32 to index
    %get3A_230 = arith.constant 64 : index
    %get3A_231 = tpu.vector_load %arg8[%get3A_229, %get3A_230] {strides = array<i32>} : memref<8x3200xf32, #tpu.memory_space<vmem>>, vector<16xf32>,
    %sub3A_232 = vector.broadcast %squeeze3A : f32 to vector<16xf32>
    %sub3A_233 = arith.subf %get3A_227, %sub3A_232 : vector<16xf32>
    %sub3A_234 = vector.broadcast %squeeze3A_21 : f32 to vector<16xf32>
    %sub3A_235 = arith.subf %get3A_231, %sub3A_234 : vector<16xf32>
    %mul3A_236 = arith.mulf %sub3A_233, %sub3A_233 : vector<16xf32>
    %mul3A_237 = arith.mulf %sub3A_235, %sub3A_235 : vector<16xf32>
    %add3A_238 = arith.addf %mul3A_236, %mul3A_237 : vector<16xf32>
    %add3A_239 = arith.constant 64 : i32
    %add3A_240 = arith.addi %mul3A_23, %add3A_239 : i32
    %add3A_241 = vector.broadcast %add3A_240 : i32 to vector<16xi32>
    %add3A_242 = arith.addi %add3A_241, %iota3A : vector<16xi32>
    %masked_sort3A_243 = arith.constant dense<true> : vector<16xi1>
    %masked_sort3A_244, %masked_sort3A_245, %masked_sort3A_246 = tpu.sort %add3A_238, %add3A_242 masked %masked_sort3A_243 : (vector<16xf32>, vector<16xi32>, vector<16xi1>) -> (vector<16xi1>, vector<16xf32>, vector<16xi32>)
    %rev3A_247 = arith.constant 15 : i32
    %rev3A_248 = vector.broadcast %rev3A_247 : i32 to vector<16xi32>
    %rev3A_249 = tpu.iota {dimensions = array<i32: 0>} : vector<16xi32>
    %rev3A_250 = arith.subi %rev3A_248, %rev3A_249 : vector<16xi32>
    %rev3A_251 = tpu.dynamic_gather %masked_sort3A_245[%rev3A_250] in [0] : vector<16xf32>, vector<16xi32> -> vector<16xf32>
    %rev3A_252 = arith.constant 15 : i32
    %rev3A_253 = vector.broadcast %rev3A_252 : i32 to vector<16xi32>
    %rev3A_254 = tpu.iota {dimensions = array<i32: 0>} : vector<16xi32>
    %rev3A_255 = arith.subi %rev3A_253, %rev3A_254 : vector<16xi32>
    %rev3A_256 = tpu.dynamic_gather %masked_sort3A_246[%rev3A_255] in [0] : vector<16xi32>, vector<16xi32> -> vector<16xi32>
    %le3A_257 = arith.cmpf ole, %masked_sort3A_222, %rev3A_251 : vector<16xf32>
    %select_n3A_258 = arith.select %le3A_257, %masked_sort3A_222, %rev3A_251 : vector<16xi1>, vector<16xf32>
    %select_n3A_259 = arith.select %le3A_257, %masked_sort3A_223, %rev3A_256 : vector<16xi1>, vector<16xi32>
    %masked_sort3A_260 = arith.constant dense<true> : vector<16xi1>
    %masked_sort3A_261, %masked_sort3A_262, %masked_sort3A_263 = tpu.sort %select_n3A_258, %select_n3A_259 masked %masked_sort3A_260 : (vector<16xf32>, vector<16xi32>, vector<16xi1>) -> (vector<16xi1>, vector<16xf32>, vector<16xi32>)
    %get3A_264 = arith.constant 0 : i32
    %get3A_265 = arith.index_cast %get3A_264 : i32 to index
    %get3A_266 = arith.constant 80 : index
    %get3A_267 = tpu.vector_load %arg6[%get3A_265, %get3A_266] {strides = array<i32>} : memref<8x3200xf32, #tpu.memory_space<vmem>>, vector<16xf32>,
    %get3A_268 = arith.constant 0 : i32
    %get3A_269 = arith.index_cast %get3A_268 : i32 to index
    %get3A_270 = arith.constant 80 : index
    %get3A_271 = tpu.vector_load %arg8[%get3A_269, %get3A_270] {strides = array<i32>} : memref<8x3200xf32, #tpu.memory_space<vmem>>, vector<16xf32>,
    %sub3A_272 = vector.broadcast %squeeze3A : f32 to vector<16xf32>
    %sub3A_273 = arith.subf %get3A_267, %sub3A_272 : vector<16xf32>
    %sub3A_274 = vector.broadcast %squeeze3A_21 : f32 to vector<16xf32>
    %sub3A_275 = arith.subf %get3A_271, %sub3A_274 : vector<16xf32>
    %mul3A_276 = arith.mulf %sub3A_273, %sub3A_273 : vector<16xf32>
    %mul3A_277 = arith.mulf %sub3A_275, %sub3A_275 : vector<16xf32>
    %add3A_278 = arith.addf %mul3A_276, %mul3A_277 : vector<16xf32>
    %add3A_279 = arith.constant 80 : i32
    %add3A_280 = arith.addi %mul3A_23, %add3A_279 : i32
    %add3A_281 = vector.broadcast %add3A_280 : i32 to vector<16xi32>
    %add3A_282 = arith.addi %add3A_281, %iota3A : vector<16xi32>
    %masked_sort3A_283 = arith.constant dense<true> : vector<16xi1>
    %masked_sort3A_284, %masked_sort3A_285, %masked_sort3A_286 = tpu.sort %add3A_278, %add3A_282 masked %masked_sort3A_283 : (vector<16xf32>, vector<16xi32>, vector<16xi1>) -> (vector<16xi1>, vector<16xf32>, vector<16xi32>)
    %rev3A_287 = arith.constant 15 : i32
    %rev3A_288 = vector.broadcast %rev3A_287 : i32 to vector<16xi32>
    %rev3A_289 = tpu.iota {dimensions = array<i32: 0>} : vector<16xi32>
    %rev3A_290 = arith.subi %rev3A_288, %rev3A_289 : vector<16xi32>
    %rev3A_291 = tpu.dynamic_gather %masked_sort3A_285[%rev3A_290] in [0] : vector<16xf32>, vector<16xi32> -> vector<16xf32>
    %rev3A_292 = arith.constant 15 : i32
    %rev3A_293 = vector.broadcast %rev3A_292 : i32 to vector<16xi32>
    %rev3A_294 = tpu.iota {dimensions = array<i32: 0>} : vector<16xi32>
    %rev3A_295 = arith.subi %rev3A_293, %rev3A_294 : vector<16xi32>
    %rev3A_296 = tpu.dynamic_gather %masked_sort3A_286[%rev3A_295] in [0] : vector<16xi32>, vector<16xi32> -> vector<16xi32>
    %le3A_297 = arith.cmpf ole, %masked_sort3A_262, %rev3A_291 : vector<16xf32>
    %select_n3A_298 = arith.select %le3A_297, %masked_sort3A_262, %rev3A_291 : vector<16xi1>, vector<16xf32>
    %select_n3A_299 = arith.select %le3A_297, %masked_sort3A_263, %rev3A_296 : vector<16xi1>, vector<16xi32>
    %masked_sort3A_300 = arith.constant dense<true> : vector<16xi1>
    %masked_sort3A_301, %masked_sort3A_302, %masked_sort3A_303 = tpu.sort %select_n3A_298, %select_n3A_299 masked %masked_sort3A_300 : (vector<16xf32>, vector<16xi32>, vector<16xi1>) -> (vector<16xi1>, vector<16xf32>, vector<16xi32>)
    %get3A_304 = arith.constant 0 : i32
    %get3A_305 = arith.index_cast %get3A_304 : i32 to index
    %get3A_306 = arith.constant 96 : index
    %get3A_307 = tpu.vector_load %arg6[%get3A_305, %get3A_306] {strides = array<i32>} : memref<8x3200xf32, #tpu.memory_space<vmem>>, vector<16xf32>,
    %get3A_308 = arith.constant 0 : i32
    %get3A_309 = arith.index_cast %get3A_308 : i32 to index
    %get3A_310 = arith.constant 96 : index
    %get3A_311 = tpu.vector_load %arg8[%get3A_309, %get3A_310] {strides = array<i32>} : memref<8x3200xf32, #tpu.memory_space<vmem>>, vector<16xf32>,
    %sub3A_312 = vector.broadcast %squeeze3A : f32 to vector<16xf32>
    %sub3A_313 = arith.subf %get3A_307, %sub3A_312 : vector<16xf32>
    %sub3A_314 = vector.broadcast %squeeze3A_21 : f32 to vector<16xf32>
    %sub3A_315 = arith.subf %get3A_311, %sub3A_314 : vector<16xf32>
    %mul3A_316 = arith.mulf %sub3A_313, %sub3A_313 : vector<16xf32>
    %mul3A_317 = arith.mulf %sub3A_315, %sub3A_315 : vector<16xf32>
    %add3A_318 = arith.addf %mul3A_316, %mul3A_317 : vector<16xf32>
    %add3A_319 = arith.constant 96 : i32
    %add3A_320 = arith.addi %mul3A_23, %add3A_319 : i32
    %add3A_321 = vector.broadcast %add3A_320 : i32 to vector<16xi32>
    %add3A_322 = arith.addi %add3A_321, %iota3A : vector<16xi32>
    %masked_sort3A_323 = arith.constant dense<true> : vector<16xi1>
    %masked_sort3A_324, %masked_sort3A_325, %masked_sort3A_326 = tpu.sort %add3A_318, %add3A_322 masked %masked_sort3A_323 : (vector<16xf32>, vector<16xi32>, vector<16xi1>) -> (vector<16xi1>, vector<16xf32>, vector<16xi32>)
    %rev3A_327 = arith.constant 15 : i32
    %rev3A_328 = vector.broadcast %rev3A_327 : i32 to vector<16xi32>
    %rev3A_329 = tpu.iota {dimensions = array<i32: 0>} : vector<16xi32>
    %rev3A_330 = arith.subi %rev3A_328, %rev3A_329 : vector<16xi32>
    %rev3A_331 = tpu.dynamic_gather %masked_sort3A_325[%rev3A_330] in [0] : vector<16xf32>, vector<16xi32> -> vector<16xf32>
    %rev3A_332 = arith.constant 15 : i32
    %rev3A_333 = vector.broadcast %rev3A_332 : i32 to vector<16xi32>
    %rev3A_334 = tpu.iota {dimensions = array<i32: 0>} : vector<16xi32>
    %rev3A_335 = arith.subi %rev3A_333, %rev3A_334 : vector<16xi32>
    %rev3A_336 = tpu.dynamic_gather %masked_sort3A_326[%rev3A_335] in [0] : vector<16xi32>, vector<16xi32> -> vector<16xi32>
    %le3A_337 = arith.cmpf ole, %masked_sort3A_302, %rev3A_331 : vector<16xf32>
    %select_n3A_338 = arith.select %le3A_337, %masked_sort3A_302, %rev3A_331 : vector<16xi1>, vector<16xf32>
    %select_n3A_339 = arith.select %le3A_337, %masked_sort3A_303, %rev3A_336 : vector<16xi1>, vector<16xi32>
    %masked_sort3A_340 = arith.constant dense<true> : vector<16xi1>
    %masked_sort3A_341, %masked_sort3A_342, %masked_sort3A_343 = tpu.sort %select_n3A_338, %select_n3A_339 masked %masked_sort3A_340 : (vector<16xf32>, vector<16xi32>, vector<16xi1>) -> (vector<16xi1>, vector<16xf32>, vector<16xi32>)
    %get3A_344 = arith.constant 0 : i32
    %get3A_345 = arith.index_cast %get3A_344 : i32 to index
    %get3A_346 = arith.constant 112 : index
    %get3A_347 = tpu.vector_load %arg6[%get3A_345, %get3A_346] {strides = array<i32>} : memref<8x3200xf32, #tpu.memory_space<vmem>>, vector<16xf32>,
    %get3A_348 = arith.constant 0 : i32
    %get3A_349 = arith.index_cast %get3A_348 : i32 to index
    %get3A_350 = arith.constant 112 : index
    %get3A_351 = tpu.vector_load %arg8[%get3A_349, %get3A_350] {strides = array<i32>} : memref<8x3200xf32, #tpu.memory_space<vmem>>, vector<16xf32>,
    %sub3A_352 = vector.broadcast %squeeze3A : f32 to vector<16xf32>
    %sub3A_353 = arith.subf %get3A_347, %sub3A_352 : vector<16xf32>
    %sub3A_354 = vector.broadcast %squeeze3A_21 : f32 to vector<16xf32>
    %sub3A_355 = arith.subf %get3A_351, %sub3A_354 : vector<16xf32>
    %mul3A_356 = arith.mulf %sub3A_353, %sub3A_353 : vector<16xf32>
    %mul3A_357 = arith.mulf %sub3A_355, %sub3A_355 : vector<16xf32>
    %add3A_358 = arith.addf %mul3A_356, %mul3A_357 : vector<16xf32>
    %add3A_359 = arith.constant 112 : i32
    %add3A_360 = arith.addi %mul3A_23, %add3A_359 : i32
    %add3A_361 = vector.broadcast %add3A_360 : i32 to vector<16xi32>
    %add3A_362 = arith.addi %add3A_361, %iota3A : vector<16xi32>
    %masked_sort3A_363 = arith.constant dense<true> : vector<16xi1>
    %masked_sort3A_364, %masked_sort3A_365, %masked_sort3A_366 = tpu.sort %add3A_358, %add3A_362 masked %masked_sort3A_363 : (vector<16xf32>, vector<16xi32>, vector<16xi1>) -> (vector<16xi1>, vector<16xf32>, vector<16xi32>)
    %rev3A_367 = arith.constant 15 : i32
    %rev3A_368 = vector.broadcast %rev3A_367 : i32 to vector<16xi32>
    %rev3A_369 = tpu.iota {dimensions = array<i32: 0>} : vector<16xi32>
    %rev3A_370 = arith.subi %rev3A_368, %rev3A_369 : vector<16xi32>
    %rev3A_371 = tpu.dynamic_gather %masked_sort3A_365[%rev3A_370] in [0] : vector<16xf32>, vector<16xi32> -> vector<16xf32>
    %rev3A_372 = arith.constant 15 : i32
    %rev3A_373 = vector.broadcast %rev3A_372 : i32 to vector<16xi32>
    %rev3A_374 = tpu.iota {dimensions = array<i32: 0>} : vector<16xi32>
    %rev3A_375 = arith.subi %rev3A_373, %rev3A_374 : vector<16xi32>
    %rev3A_376 = tpu.dynamic_gather %masked_sort3A_366[%rev3A_375] in [0] : vector<16xi32>, vector<16xi32> -> vector<16xi32>
    %le3A_377 = arith.cmpf ole, %masked_sort3A_342, %rev3A_371 : vector<16xf32>
    %select_n3A_378 = arith.select %le3A_377, %masked_sort3A_342, %rev3A_371 : vector<16xi1>, vector<16xf32>
    %select_n3A_379 = arith.select %le3A_377, %masked_sort3A_343, %rev3A_376 : vector<16xi1>, vector<16xi32>
    %masked_sort3A_380 = arith.constant dense<true> : vector<16xi1>
    %masked_sort3A_381, %masked_sort3A_382, %masked_sort3A_383 = tpu.sort %select_n3A_378, %select_n3A_379 masked %masked_sort3A_380 : (vector<16xf32>, vector<16xi32>, vector<16xi1>) -> (vector<16xi1>, vector<16xf32>, vector<16xi32>)
    %reduce_max3A = arith.constant true
    %reduce_max3A_384 = vector.broadcast %reduce_max3A : i1 to vector<16xi1>
    %reduce_max3A_385 = tpu.scan <max>, %masked_sort3A_382 masked %reduce_max3A_384 : vector<16xf32>, vector<16xi1> -> vector<16xf32>
    %reduce_max3A_386 = vector.extract %reduce_max3A_385[15] : f32 from vector<16xf32>
    %scan3A = arith.constant 0 : i32
    %scan3A_387 = arith.constant 128 : i32
    %scan3A_388 = arith.constant 1 : i32
    %scan3A_389 = arith.constant 199 : i32
    %scan3A_390 = arith.addi %scan3A_388, %scan3A_389 : i32
    %scan3A_391 = arith.constant 1 : i32
    %scan3A_392:5 = scf.for %scan3A_421 = %scan3A_388 to %scan3A_390 step %scan3A_391 iter_args(%scan3A_422 = %masked_sort3A_382, %scan3A_423 = %masked_sort3A_383, %scan3A_424 = %reduce_max3A_386, %scan3A_425 = %scan3A, %scan3A_426 = %scan3A_387) -> (vector<16xf32>, vector<16xi32>, f32, i32, i32)  : i32 {
      %add3A_427 = arith.constant 0 : i32
      %add3A_428 = arith.addi %scan3A_426, %add3A_427 : i32
      %get3A_429 = arith.index_cast %scan3A_425 : i32 to index
      %get3A_430 = arith.index_cast %add3A_428 : i32 to index
      %get3A_431 = tpu.vector_load %arg6[%get3A_429, %get3A_430] {strides = array<i32>} : memref<8x3200xf32, #tpu.memory_space<vmem>>, vector<16xf32>,
      %add3A_432 = arith.constant 0 : i32
      %add3A_433 = arith.addi %scan3A_426, %add3A_432 : i32
      %get3A_434 = arith.index_cast %scan3A_425 : i32 to index
      %get3A_435 = arith.index_cast %add3A_433 : i32 to index
      %get3A_436 = tpu.vector_load %arg8[%get3A_434, %get3A_435] {strides = array<i32>} : memref<8x3200xf32, #tpu.memory_space<vmem>>, vector<16xf32>,
      %sub3A_437 = vector.broadcast %squeeze3A : f32 to vector<16xf32>
      %sub3A_438 = arith.subf %get3A_431, %sub3A_437 : vector<16xf32>
      %sub3A_439 = vector.broadcast %squeeze3A_21 : f32 to vector<16xf32>
      %sub3A_440 = arith.subf %get3A_436, %sub3A_439 : vector<16xf32>
      %mul3A_441 = arith.mulf %sub3A_438, %sub3A_438 : vector<16xf32>
      %mul3A_442 = arith.mulf %sub3A_440, %sub3A_440 : vector<16xf32>
      %add3A_443 = arith.addf %mul3A_441, %mul3A_442 : vector<16xf32>
      %add3A_444 = arith.constant 16 : i32
      %add3A_445 = arith.addi %scan3A_426, %add3A_444 : i32
      %get3A_446 = arith.index_cast %scan3A_425 : i32 to index
      %get3A_447 = arith.index_cast %add3A_445 : i32 to index
      %get3A_448 = tpu.vector_load %arg6[%get3A_446, %get3A_447] {strides = array<i32>} : memref<8x3200xf32, #tpu.memory_space<vmem>>, vector<16xf32>,
      %add3A_449 = arith.constant 16 : i32
      %add3A_450 = arith.addi %scan3A_426, %add3A_449 : i32
      %get3A_451 = arith.index_cast %scan3A_425 : i32 to index
      %get3A_452 = arith.index_cast %add3A_450 : i32 to index
      %get3A_453 = tpu.vector_load %arg8[%get3A_451, %get3A_452] {strides = array<i32>} : memref<8x3200xf32, #tpu.memory_space<vmem>>, vector<16xf32>,
      %sub3A_454 = vector.broadcast %squeeze3A : f32 to vector<16xf32>
      %sub3A_455 = arith.subf %get3A_448, %sub3A_454 : vector<16xf32>
      %sub3A_456 = vector.broadcast %squeeze3A_21 : f32 to vector<16xf32>
      %sub3A_457 = arith.subf %get3A_453, %sub3A_456 : vector<16xf32>
      %mul3A_458 = arith.mulf %sub3A_455, %sub3A_455 : vector<16xf32>
      %mul3A_459 = arith.mulf %sub3A_457, %sub3A_457 : vector<16xf32>
      %add3A_460 = arith.addf %mul3A_458, %mul3A_459 : vector<16xf32>
      %add3A_461 = arith.constant 32 : i32
      %add3A_462 = arith.addi %scan3A_426, %add3A_461 : i32
      %get3A_463 = arith.index_cast %scan3A_425 : i32 to index
      %get3A_464 = arith.index_cast %add3A_462 : i32 to index
      %get3A_465 = tpu.vector_load %arg6[%get3A_463, %get3A_464] {strides = array<i32>} : memref<8x3200xf32, #tpu.memory_space<vmem>>, vector<16xf32>,
      %add3A_466 = arith.constant 32 : i32
      %add3A_467 = arith.addi %scan3A_426, %add3A_466 : i32
      %get3A_468 = arith.index_cast %scan3A_425 : i32 to index
      %get3A_469 = arith.index_cast %add3A_467 : i32 to index
      %get3A_470 = tpu.vector_load %arg8[%get3A_468, %get3A_469] {strides = array<i32>} : memref<8x3200xf32, #tpu.memory_space<vmem>>, vector<16xf32>,
      %sub3A_471 = vector.broadcast %squeeze3A : f32 to vector<16xf32>
      %sub3A_472 = arith.subf %get3A_465, %sub3A_471 : vector<16xf32>
      %sub3A_473 = vector.broadcast %squeeze3A_21 : f32 to vector<16xf32>
      %sub3A_474 = arith.subf %get3A_470, %sub3A_473 : vector<16xf32>
      %mul3A_475 = arith.mulf %sub3A_472, %sub3A_472 : vector<16xf32>
      %mul3A_476 = arith.mulf %sub3A_474, %sub3A_474 : vector<16xf32>
      %add3A_477 = arith.addf %mul3A_475, %mul3A_476 : vector<16xf32>
      %add3A_478 = arith.constant 48 : i32
      %add3A_479 = arith.addi %scan3A_426, %add3A_478 : i32
      %get3A_480 = arith.index_cast %scan3A_425 : i32 to index
      %get3A_481 = arith.index_cast %add3A_479 : i32 to index
      %get3A_482 = tpu.vector_load %arg6[%get3A_480, %get3A_481] {strides = array<i32>} : memref<8x3200xf32, #tpu.memory_space<vmem>>, vector<16xf32>,
      %add3A_483 = arith.constant 48 : i32
      %add3A_484 = arith.addi %scan3A_426, %add3A_483 : i32
      %get3A_485 = arith.index_cast %scan3A_425 : i32 to index
      %get3A_486 = arith.index_cast %add3A_484 : i32 to index
      %get3A_487 = tpu.vector_load %arg8[%get3A_485, %get3A_486] {strides = array<i32>} : memref<8x3200xf32, #tpu.memory_space<vmem>>, vector<16xf32>,
      %sub3A_488 = vector.broadcast %squeeze3A : f32 to vector<16xf32>
      %sub3A_489 = arith.subf %get3A_482, %sub3A_488 : vector<16xf32>
      %sub3A_490 = vector.broadcast %squeeze3A_21 : f32 to vector<16xf32>
      %sub3A_491 = arith.subf %get3A_487, %sub3A_490 : vector<16xf32>
      %mul3A_492 = arith.mulf %sub3A_489, %sub3A_489 : vector<16xf32>
      %mul3A_493 = arith.mulf %sub3A_491, %sub3A_491 : vector<16xf32>
      %add3A_494 = arith.addf %mul3A_492, %mul3A_493 : vector<16xf32>
      %add3A_495 = arith.constant 64 : i32
      %add3A_496 = arith.addi %scan3A_426, %add3A_495 : i32
      %get3A_497 = arith.index_cast %scan3A_425 : i32 to index
      %get3A_498 = arith.index_cast %add3A_496 : i32 to index
      %get3A_499 = tpu.vector_load %arg6[%get3A_497, %get3A_498] {strides = array<i32>} : memref<8x3200xf32, #tpu.memory_space<vmem>>, vector<16xf32>,
      %add3A_500 = arith.constant 64 : i32
      %add3A_501 = arith.addi %scan3A_426, %add3A_500 : i32
      %get3A_502 = arith.index_cast %scan3A_425 : i32 to index
      %get3A_503 = arith.index_cast %add3A_501 : i32 to index
      %get3A_504 = tpu.vector_load %arg8[%get3A_502, %get3A_503] {strides = array<i32>} : memref<8x3200xf32, #tpu.memory_space<vmem>>, vector<16xf32>,
      %sub3A_505 = vector.broadcast %squeeze3A : f32 to vector<16xf32>
      %sub3A_506 = arith.subf %get3A_499, %sub3A_505 : vector<16xf32>
      %sub3A_507 = vector.broadcast %squeeze3A_21 : f32 to vector<16xf32>
      %sub3A_508 = arith.subf %get3A_504, %sub3A_507 : vector<16xf32>
      %mul3A_509 = arith.mulf %sub3A_506, %sub3A_506 : vector<16xf32>
      %mul3A_510 = arith.mulf %sub3A_508, %sub3A_508 : vector<16xf32>
      %add3A_511 = arith.addf %mul3A_509, %mul3A_510 : vector<16xf32>
      %add3A_512 = arith.constant 80 : i32
      %add3A_513 = arith.addi %scan3A_426, %add3A_512 : i32
      %get3A_514 = arith.index_cast %scan3A_425 : i32 to index
      %get3A_515 = arith.index_cast %add3A_513 : i32 to index
      %get3A_516 = tpu.vector_load %arg6[%get3A_514, %get3A_515] {strides = array<i32>} : memref<8x3200xf32, #tpu.memory_space<vmem>>, vector<16xf32>,
      %add3A_517 = arith.constant 80 : i32
      %add3A_518 = arith.addi %scan3A_426, %add3A_517 : i32
      %get3A_519 = arith.index_cast %scan3A_425 : i32 to index
      %get3A_520 = arith.index_cast %add3A_518 : i32 to index
      %get3A_521 = tpu.vector_load %arg8[%get3A_519, %get3A_520] {strides = array<i32>} : memref<8x3200xf32, #tpu.memory_space<vmem>>, vector<16xf32>,
      %sub3A_522 = vector.broadcast %squeeze3A : f32 to vector<16xf32>
      %sub3A_523 = arith.subf %get3A_516, %sub3A_522 : vector<16xf32>
      %sub3A_524 = vector.broadcast %squeeze3A_21 : f32 to vector<16xf32>
      %sub3A_525 = arith.subf %get3A_521, %sub3A_524 : vector<16xf32>
      %mul3A_526 = arith.mulf %sub3A_523, %sub3A_523 : vector<16xf32>
      %mul3A_527 = arith.mulf %sub3A_525, %sub3A_525 : vector<16xf32>
      %add3A_528 = arith.addf %mul3A_526, %mul3A_527 : vector<16xf32>
      %add3A_529 = arith.constant 96 : i32
      %add3A_530 = arith.addi %scan3A_426, %add3A_529 : i32
      %get3A_531 = arith.index_cast %scan3A_425 : i32 to index
      %get3A_532 = arith.index_cast %add3A_530 : i32 to index
      %get3A_533 = tpu.vector_load %arg6[%get3A_531, %get3A_532] {strides = array<i32>} : memref<8x3200xf32, #tpu.memory_space<vmem>>, vector<16xf32>,
      %add3A_534 = arith.constant 96 : i32
      %add3A_535 = arith.addi %scan3A_426, %add3A_534 : i32
      %get3A_536 = arith.index_cast %scan3A_425 : i32 to index
      %get3A_537 = arith.index_cast %add3A_535 : i32 to index
      %get3A_538 = tpu.vector_load %arg8[%get3A_536, %get3A_537] {strides = array<i32>} : memref<8x3200xf32, #tpu.memory_space<vmem>>, vector<16xf32>,
      %sub3A_539 = vector.broadcast %squeeze3A : f32 to vector<16xf32>
      %sub3A_540 = arith.subf %get3A_533, %sub3A_539 : vector<16xf32>
      %sub3A_541 = vector.broadcast %squeeze3A_21 : f32 to vector<16xf32>
      %sub3A_542 = arith.subf %get3A_538, %sub3A_541 : vector<16xf32>
      %mul3A_543 = arith.mulf %sub3A_540, %sub3A_540 : vector<16xf32>
      %mul3A_544 = arith.mulf %sub3A_542, %sub3A_542 : vector<16xf32>
      %add3A_545 = arith.addf %mul3A_543, %mul3A_544 : vector<16xf32>
      %add3A_546 = arith.constant 112 : i32
      %add3A_547 = arith.addi %scan3A_426, %add3A_546 : i32
      %get3A_548 = arith.index_cast %scan3A_425 : i32 to index
      %get3A_549 = arith.index_cast %add3A_547 : i32 to index
      %get3A_550 = tpu.vector_load %arg6[%get3A_548, %get3A_549] {strides = array<i32>} : memref<8x3200xf32, #tpu.memory_space<vmem>>, vector<16xf32>,
      %add3A_551 = arith.constant 112 : i32
      %add3A_552 = arith.addi %scan3A_426, %add3A_551 : i32
      %get3A_553 = arith.index_cast %scan3A_425 : i32 to index
      %get3A_554 = arith.index_cast %add3A_552 : i32 to index
      %get3A_555 = tpu.vector_load %arg8[%get3A_553, %get3A_554] {strides = array<i32>} : memref<8x3200xf32, #tpu.memory_space<vmem>>, vector<16xf32>,
      %sub3A_556 = vector.broadcast %squeeze3A : f32 to vector<16xf32>
      %sub3A_557 = arith.subf %get3A_550, %sub3A_556 : vector<16xf32>
      %sub3A_558 = vector.broadcast %squeeze3A_21 : f32 to vector<16xf32>
      %sub3A_559 = arith.subf %get3A_555, %sub3A_558 : vector<16xf32>
      %mul3A_560 = arith.mulf %sub3A_557, %sub3A_557 : vector<16xf32>
      %mul3A_561 = arith.mulf %sub3A_559, %sub3A_559 : vector<16xf32>
      %add3A_562 = arith.addf %mul3A_560, %mul3A_561 : vector<16xf32>
      %min3A = arith.minimumf %add3A_443, %add3A_460 : vector<16xf32>
      %min3A_563 = arith.minimumf %min3A, %add3A_477 : vector<16xf32>
      %min3A_564 = arith.minimumf %min3A_563, %add3A_494 : vector<16xf32>
      %min3A_565 = arith.minimumf %min3A_564, %add3A_511 : vector<16xf32>
      %min3A_566 = arith.minimumf %min3A_565, %add3A_528 : vector<16xf32>
      %min3A_567 = arith.minimumf %min3A_566, %add3A_545 : vector<16xf32>
      %min3A_568 = arith.minimumf %min3A_567, %add3A_562 : vector<16xf32>
      %reduce_min3A = arith.constant true
      %reduce_min3A_569 = vector.broadcast %reduce_min3A : i1 to vector<16xi1>
      %reduce_min3A_570 = tpu.scan <min>, %min3A_568 masked %reduce_min3A_569 : vector<16xf32>, vector<16xi1> -> vector<16xf32>
      %reduce_min3A_571 = vector.extract %reduce_min3A_570[15] : f32 from vector<16xf32>
      %lt3A = arith.cmpf olt, %reduce_min3A_571, %scan3A_424 : f32
      %mul3A_572 = arith.constant 12800 : i32
      %mul3A_573 = arith.muli %scan3A_425, %mul3A_572 : i32
      %add3A_574 = arith.addi %mul3A_573, %add3A_66 : i32
      %add3A_575 = arith.addi %add3A_574, %scan3A_426 : i32
      %convert_element_type3A_576 = arith.extui %lt3A : i1 to i32
      %cond3A_577 = arith.constant 0 : i32
      %cond3A_578 = arith.cmpi ne, %convert_element_type3A_576, %cond3A_577 : i32
      %cond3A_579:3 = scf.if %cond3A_578 -> (vector<16xf32>, vector<16xi32>, f32) {
        %reduce_min3A_588 = arith.constant true
        %reduce_min3A_589 = vector.broadcast %reduce_min3A_588 : i1 to vector<16xi1>
        %reduce_min3A_590 = tpu.scan <min>, %add3A_443 masked %reduce_min3A_589 : vector<16xf32>, vector<16xi1> -> vector<16xf32>
        %reduce_min3A_591 = vector.extract %reduce_min3A_590[15] : f32 from vector<16xf32>
        %reduce_min3A_592 = arith.constant true
        %reduce_min3A_593 = vector.broadcast %reduce_min3A_592 : i1 to vector<16xi1>
        %reduce_min3A_594 = tpu.scan <min>, %add3A_460 masked %reduce_min3A_593 : vector<16xf32>, vector<16xi1> -> vector<16xf32>
        %reduce_min3A_595 = vector.extract %reduce_min3A_594[15] : f32 from vector<16xf32>
        %reduce_min3A_596 = arith.constant true
        %reduce_min3A_597 = vector.broadcast %reduce_min3A_596 : i1 to vector<16xi1>
        %reduce_min3A_598 = tpu.scan <min>, %add3A_477 masked %reduce_min3A_597 : vector<16xf32>, vector<16xi1> -> vector<16xf32>
        %reduce_min3A_599 = vector.extract %reduce_min3A_598[15] : f32 from vector<16xf32>
        %reduce_min3A_600 = arith.constant true
        %reduce_min3A_601 = vector.broadcast %reduce_min3A_600 : i1 to vector<16xi1>
        %reduce_min3A_602 = tpu.scan <min>, %add3A_494 masked %reduce_min3A_601 : vector<16xf32>, vector<16xi1> -> vector<16xf32>
        %reduce_min3A_603 = vector.extract %reduce_min3A_602[15] : f32 from vector<16xf32>
        %reduce_min3A_604 = arith.constant true
        %reduce_min3A_605 = vector.broadcast %reduce_min3A_604 : i1 to vector<16xi1>
        %reduce_min3A_606 = tpu.scan <min>, %add3A_511 masked %reduce_min3A_605 : vector<16xf32>, vector<16xi1> -> vector<16xf32>
        %reduce_min3A_607 = vector.extract %reduce_min3A_606[15] : f32 from vector<16xf32>
        %reduce_min3A_608 = arith.constant true
        %reduce_min3A_609 = vector.broadcast %reduce_min3A_608 : i1 to vector<16xi1>
        %reduce_min3A_610 = tpu.scan <min>, %add3A_528 masked %reduce_min3A_609 : vector<16xf32>, vector<16xi1> -> vector<16xf32>
        %reduce_min3A_611 = vector.extract %reduce_min3A_610[15] : f32 from vector<16xf32>
        %reduce_min3A_612 = arith.constant true
        %reduce_min3A_613 = vector.broadcast %reduce_min3A_612 : i1 to vector<16xi1>
        %reduce_min3A_614 = tpu.scan <min>, %add3A_545 masked %reduce_min3A_613 : vector<16xf32>, vector<16xi1> -> vector<16xf32>
        %reduce_min3A_615 = vector.extract %reduce_min3A_614[15] : f32 from vector<16xf32>
        %reduce_min3A_616 = arith.constant true
        %reduce_min3A_617 = vector.broadcast %reduce_min3A_616 : i1 to vector<16xi1>
        %reduce_min3A_618 = tpu.scan <min>, %add3A_562 masked %reduce_min3A_617 : vector<16xf32>, vector<16xi1> -> vector<16xf32>
        %reduce_min3A_619 = vector.extract %reduce_min3A_618[15] : f32 from vector<16xf32>
        %add3A_620 = arith.constant 0 : i32
        %add3A_621 = arith.addi %add3A_575, %add3A_620 : i32
        %add3A_622 = vector.broadcast %add3A_621 : i32 to vector<16xi32>
        %add3A_623 = arith.addi %add3A_622, %iota3A : vector<16xi32>
        %lt3A_624 = arith.cmpf olt, %reduce_min3A_591, %scan3A_424 : f32
        %convert_element_type3A_625 = arith.extui %lt3A_624 : i1 to i32
        %cond3A_626 = arith.constant 0 : i32
        %cond3A_627 = arith.cmpi ne, %convert_element_type3A_625, %cond3A_626 : i32
        %cond3A_628:3 = scf.if %cond3A_627 -> (vector<16xf32>, vector<16xi32>, f32) {
          %masked_sort3A_692 = arith.constant dense<true> : vector<16xi1>
          %masked_sort3A_693, %masked_sort3A_694, %masked_sort3A_695 = tpu.sort %add3A_443, %add3A_623 masked %masked_sort3A_692 : (vector<16xf32>, vector<16xi32>, vector<16xi1>) -> (vector<16xi1>, vector<16xf32>, vector<16xi32>)
          %rev3A_696 = arith.constant 15 : i32
          %rev3A_697 = vector.broadcast %rev3A_696 : i32 to vector<16xi32>
          %rev3A_698 = tpu.iota {dimensions = array<i32: 0>} : vector<16xi32>
          %rev3A_699 = arith.subi %rev3A_697, %rev3A_698 : vector<16xi32>
          %rev3A_700 = tpu.dynamic_gather %masked_sort3A_694[%rev3A_699] in [0] : vector<16xf32>, vector<16xi32> -> vector<16xf32>
          %rev3A_701 = arith.constant 15 : i32
          %rev3A_702 = vector.broadcast %rev3A_701 : i32 to vector<16xi32>
          %rev3A_703 = tpu.iota {dimensions = array<i32: 0>} : vector<16xi32>
          %rev3A_704 = arith.subi %rev3A_702, %rev3A_703 : vector<16xi32>
          %rev3A_705 = tpu.dynamic_gather %masked_sort3A_695[%rev3A_704] in [0] : vector<16xi32>, vector<16xi32> -> vector<16xi32>
          %le3A_706 = arith.cmpf ole, %scan3A_422, %rev3A_700 : vector<16xf32>
          %select_n3A_707 = arith.select %le3A_706, %scan3A_422, %rev3A_700 : vector<16xi1>, vector<16xf32>
          %select_n3A_708 = arith.select %le3A_706, %scan3A_423, %rev3A_705 : vector<16xi1>, vector<16xi32>
          %masked_sort3A_709 = arith.constant dense<true> : vector<16xi1>
          %masked_sort3A_710, %masked_sort3A_711, %masked_sort3A_712 = tpu.sort %select_n3A_707, %select_n3A_708 masked %masked_sort3A_709 : (vector<16xf32>, vector<16xi32>, vector<16xi1>) -> (vector<16xi1>, vector<16xf32>, vector<16xi32>)
          %reduce_max3A_713 = arith.constant true
          %reduce_max3A_714 = vector.broadcast %reduce_max3A_713 : i1 to vector<16xi1>
          %reduce_max3A_715 = tpu.scan <max>, %masked_sort3A_711 masked %reduce_max3A_714 : vector<16xf32>, vector<16xi1> -> vector<16xf32>
          %reduce_max3A_716 = vector.extract %reduce_max3A_715[15] : f32 from vector<16xf32>
          scf.yield %masked_sort3A_711, %masked_sort3A_712, %reduce_max3A_716 : vector<16xf32>, vector<16xi32>, f32
        } else {
          scf.yield %scan3A_422, %scan3A_423, %scan3A_424 : vector<16xf32>, vector<16xi32>, f32
        }
        %add3A_629 = arith.constant 16 : i32
        %add3A_630 = arith.addi %add3A_575, %add3A_629 : i32
        %add3A_631 = vector.broadcast %add3A_630 : i32 to vector<16xi32>
        %add3A_632 = arith.addi %add3A_631, %iota3A : vector<16xi32>
        %lt3A_633 = arith.cmpf olt, %reduce_min3A_595, %cond3A_628#2 : f32
        %convert_element_type3A_634 = arith.extui %lt3A_633 : i1 to i32
        %cond3A_635 = arith.constant 0 : i32
        %cond3A_636 = arith.cmpi ne, %convert_element_type3A_634, %cond3A_635 : i32
        %cond3A_637:3 = scf.if %cond3A_636 -> (vector<16xf32>, vector<16xi32>, f32) {
          %masked_sort3A_692 = arith.constant dense<true> : vector<16xi1>
          %masked_sort3A_693, %masked_sort3A_694, %masked_sort3A_695 = tpu.sort %add3A_460, %add3A_632 masked %masked_sort3A_692 : (vector<16xf32>, vector<16xi32>, vector<16xi1>) -> (vector<16xi1>, vector<16xf32>, vector<16xi32>)
          %rev3A_696 = arith.constant 15 : i32
          %rev3A_697 = vector.broadcast %rev3A_696 : i32 to vector<16xi32>
          %rev3A_698 = tpu.iota {dimensions = array<i32: 0>} : vector<16xi32>
          %rev3A_699 = arith.subi %rev3A_697, %rev3A_698 : vector<16xi32>
          %rev3A_700 = tpu.dynamic_gather %masked_sort3A_694[%rev3A_699] in [0] : vector<16xf32>, vector<16xi32> -> vector<16xf32>
          %rev3A_701 = arith.constant 15 : i32
          %rev3A_702 = vector.broadcast %rev3A_701 : i32 to vector<16xi32>
          %rev3A_703 = tpu.iota {dimensions = array<i32: 0>} : vector<16xi32>
          %rev3A_704 = arith.subi %rev3A_702, %rev3A_703 : vector<16xi32>
          %rev3A_705 = tpu.dynamic_gather %masked_sort3A_695[%rev3A_704] in [0] : vector<16xi32>, vector<16xi32> -> vector<16xi32>
          %le3A_706 = arith.cmpf ole, %cond3A_628#0, %rev3A_700 : vector<16xf32>
          %select_n3A_707 = arith.select %le3A_706, %cond3A_628#0, %rev3A_700 : vector<16xi1>, vector<16xf32>
          %select_n3A_708 = arith.select %le3A_706, %cond3A_628#1, %rev3A_705 : vector<16xi1>, vector<16xi32>
          %masked_sort3A_709 = arith.constant dense<true> : vector<16xi1>
          %masked_sort3A_710, %masked_sort3A_711, %masked_sort3A_712 = tpu.sort %select_n3A_707, %select_n3A_708 masked %masked_sort3A_709 : (vector<16xf32>, vector<16xi32>, vector<16xi1>) -> (vector<16xi1>, vector<16xf32>, vector<16xi32>)
          %reduce_max3A_713 = arith.constant true
          %reduce_max3A_714 = vector.broadcast %reduce_max3A_713 : i1 to vector<16xi1>
          %reduce_max3A_715 = tpu.scan <max>, %masked_sort3A_711 masked %reduce_max3A_714 : vector<16xf32>, vector<16xi1> -> vector<16xf32>
          %reduce_max3A_716 = vector.extract %reduce_max3A_715[15] : f32 from vector<16xf32>
          scf.yield %masked_sort3A_711, %masked_sort3A_712, %reduce_max3A_716 : vector<16xf32>, vector<16xi32>, f32
        } else {
          scf.yield %cond3A_628#0, %cond3A_628#1, %cond3A_628#2 : vector<16xf32>, vector<16xi32>, f32
        }
        %add3A_638 = arith.constant 32 : i32
        %add3A_639 = arith.addi %add3A_575, %add3A_638 : i32
        %add3A_640 = vector.broadcast %add3A_639 : i32 to vector<16xi32>
        %add3A_641 = arith.addi %add3A_640, %iota3A : vector<16xi32>
        %lt3A_642 = arith.cmpf olt, %reduce_min3A_599, %cond3A_637#2 : f32
        %convert_element_type3A_643 = arith.extui %lt3A_642 : i1 to i32
        %cond3A_644 = arith.constant 0 : i32
        %cond3A_645 = arith.cmpi ne, %convert_element_type3A_643, %cond3A_644 : i32
        %cond3A_646:3 = scf.if %cond3A_645 -> (vector<16xf32>, vector<16xi32>, f32) {
          %masked_sort3A_692 = arith.constant dense<true> : vector<16xi1>
          %masked_sort3A_693, %masked_sort3A_694, %masked_sort3A_695 = tpu.sort %add3A_477, %add3A_641 masked %masked_sort3A_692 : (vector<16xf32>, vector<16xi32>, vector<16xi1>) -> (vector<16xi1>, vector<16xf32>, vector<16xi32>)
          %rev3A_696 = arith.constant 15 : i32
          %rev3A_697 = vector.broadcast %rev3A_696 : i32 to vector<16xi32>
          %rev3A_698 = tpu.iota {dimensions = array<i32: 0>} : vector<16xi32>
          %rev3A_699 = arith.subi %rev3A_697, %rev3A_698 : vector<16xi32>
          %rev3A_700 = tpu.dynamic_gather %masked_sort3A_694[%rev3A_699] in [0] : vector<16xf32>, vector<16xi32> -> vector<16xf32>
          %rev3A_701 = arith.constant 15 : i32
          %rev3A_702 = vector.broadcast %rev3A_701 : i32 to vector<16xi32>
          %rev3A_703 = tpu.iota {dimensions = array<i32: 0>} : vector<16xi32>
          %rev3A_704 = arith.subi %rev3A_702, %rev3A_703 : vector<16xi32>
          %rev3A_705 = tpu.dynamic_gather %masked_sort3A_695[%rev3A_704] in [0] : vector<16xi32>, vector<16xi32> -> vector<16xi32>
          %le3A_706 = arith.cmpf ole, %cond3A_637#0, %rev3A_700 : vector<16xf32>
          %select_n3A_707 = arith.select %le3A_706, %cond3A_637#0, %rev3A_700 : vector<16xi1>, vector<16xf32>
          %select_n3A_708 = arith.select %le3A_706, %cond3A_637#1, %rev3A_705 : vector<16xi1>, vector<16xi32>
          %masked_sort3A_709 = arith.constant dense<true> : vector<16xi1>
          %masked_sort3A_710, %masked_sort3A_711, %masked_sort3A_712 = tpu.sort %select_n3A_707, %select_n3A_708 masked %masked_sort3A_709 : (vector<16xf32>, vector<16xi32>, vector<16xi1>) -> (vector<16xi1>, vector<16xf32>, vector<16xi32>)
          %reduce_max3A_713 = arith.constant true
          %reduce_max3A_714 = vector.broadcast %reduce_max3A_713 : i1 to vector<16xi1>
          %reduce_max3A_715 = tpu.scan <max>, %masked_sort3A_711 masked %reduce_max3A_714 : vector<16xf32>, vector<16xi1> -> vector<16xf32>
          %reduce_max3A_716 = vector.extract %reduce_max3A_715[15] : f32 from vector<16xf32>
          scf.yield %masked_sort3A_711, %masked_sort3A_712, %reduce_max3A_716 : vector<16xf32>, vector<16xi32>, f32
        } else {
          scf.yield %cond3A_637#0, %cond3A_637#1, %cond3A_637#2 : vector<16xf32>, vector<16xi32>, f32
        }
        %add3A_647 = arith.constant 48 : i32
        %add3A_648 = arith.addi %add3A_575, %add3A_647 : i32
        %add3A_649 = vector.broadcast %add3A_648 : i32 to vector<16xi32>
        %add3A_650 = arith.addi %add3A_649, %iota3A : vector<16xi32>
        %lt3A_651 = arith.cmpf olt, %reduce_min3A_603, %cond3A_646#2 : f32
        %convert_element_type3A_652 = arith.extui %lt3A_651 : i1 to i32
        %cond3A_653 = arith.constant 0 : i32
        %cond3A_654 = arith.cmpi ne, %convert_element_type3A_652, %cond3A_653 : i32
        %cond3A_655:3 = scf.if %cond3A_654 -> (vector<16xf32>, vector<16xi32>, f32) {
          %masked_sort3A_692 = arith.constant dense<true> : vector<16xi1>
          %masked_sort3A_693, %masked_sort3A_694, %masked_sort3A_695 = tpu.sort %add3A_494, %add3A_650 masked %masked_sort3A_692 : (vector<16xf32>, vector<16xi32>, vector<16xi1>) -> (vector<16xi1>, vector<16xf32>, vector<16xi32>)
          %rev3A_696 = arith.constant 15 : i32
          %rev3A_697 = vector.broadcast %rev3A_696 : i32 to vector<16xi32>
          %rev3A_698 = tpu.iota {dimensions = array<i32: 0>} : vector<16xi32>
          %rev3A_699 = arith.subi %rev3A_697, %rev3A_698 : vector<16xi32>
          %rev3A_700 = tpu.dynamic_gather %masked_sort3A_694[%rev3A_699] in [0] : vector<16xf32>, vector<16xi32> -> vector<16xf32>
          %rev3A_701 = arith.constant 15 : i32
          %rev3A_702 = vector.broadcast %rev3A_701 : i32 to vector<16xi32>
          %rev3A_703 = tpu.iota {dimensions = array<i32: 0>} : vector<16xi32>
          %rev3A_704 = arith.subi %rev3A_702, %rev3A_703 : vector<16xi32>
          %rev3A_705 = tpu.dynamic_gather %masked_sort3A_695[%rev3A_704] in [0] : vector<16xi32>, vector<16xi32> -> vector<16xi32>
          %le3A_706 = arith.cmpf ole, %cond3A_646#0, %rev3A_700 : vector<16xf32>
          %select_n3A_707 = arith.select %le3A_706, %cond3A_646#0, %rev3A_700 : vector<16xi1>, vector<16xf32>
          %select_n3A_708 = arith.select %le3A_706, %cond3A_646#1, %rev3A_705 : vector<16xi1>, vector<16xi32>
          %masked_sort3A_709 = arith.constant dense<true> : vector<16xi1>
          %masked_sort3A_710, %masked_sort3A_711, %masked_sort3A_712 = tpu.sort %select_n3A_707, %select_n3A_708 masked %masked_sort3A_709 : (vector<16xf32>, vector<16xi32>, vector<16xi1>) -> (vector<16xi1>, vector<16xf32>, vector<16xi32>)
          %reduce_max3A_713 = arith.constant true
          %reduce_max3A_714 = vector.broadcast %reduce_max3A_713 : i1 to vector<16xi1>
          %reduce_max3A_715 = tpu.scan <max>, %masked_sort3A_711 masked %reduce_max3A_714 : vector<16xf32>, vector<16xi1> -> vector<16xf32>
          %reduce_max3A_716 = vector.extract %reduce_max3A_715[15] : f32 from vector<16xf32>
          scf.yield %masked_sort3A_711, %masked_sort3A_712, %reduce_max3A_716 : vector<16xf32>, vector<16xi32>, f32
        } else {
          scf.yield %cond3A_646#0, %cond3A_646#1, %cond3A_646#2 : vector<16xf32>, vector<16xi32>, f32
        }
        %add3A_656 = arith.constant 64 : i32
        %add3A_657 = arith.addi %add3A_575, %add3A_656 : i32
        %add3A_658 = vector.broadcast %add3A_657 : i32 to vector<16xi32>
        %add3A_659 = arith.addi %add3A_658, %iota3A : vector<16xi32>
        %lt3A_660 = arith.cmpf olt, %reduce_min3A_607, %cond3A_655#2 : f32
        %convert_element_type3A_661 = arith.extui %lt3A_660 : i1 to i32
        %cond3A_662 = arith.constant 0 : i32
        %cond3A_663 = arith.cmpi ne, %convert_element_type3A_661, %cond3A_662 : i32
        %cond3A_664:3 = scf.if %cond3A_663 -> (vector<16xf32>, vector<16xi32>, f32) {
          %masked_sort3A_692 = arith.constant dense<true> : vector<16xi1>
          %masked_sort3A_693, %masked_sort3A_694, %masked_sort3A_695 = tpu.sort %add3A_511, %add3A_659 masked %masked_sort3A_692 : (vector<16xf32>, vector<16xi32>, vector<16xi1>) -> (vector<16xi1>, vector<16xf32>, vector<16xi32>)
          %rev3A_696 = arith.constant 15 : i32
          %rev3A_697 = vector.broadcast %rev3A_696 : i32 to vector<16xi32>
          %rev3A_698 = tpu.iota {dimensions = array<i32: 0>} : vector<16xi32>
          %rev3A_699 = arith.subi %rev3A_697, %rev3A_698 : vector<16xi32>
          %rev3A_700 = tpu.dynamic_gather %masked_sort3A_694[%rev3A_699] in [0] : vector<16xf32>, vector<16xi32> -> vector<16xf32>
          %rev3A_701 = arith.constant 15 : i32
          %rev3A_702 = vector.broadcast %rev3A_701 : i32 to vector<16xi32>
          %rev3A_703 = tpu.iota {dimensions = array<i32: 0>} : vector<16xi32>
          %rev3A_704 = arith.subi %rev3A_702, %rev3A_703 : vector<16xi32>
          %rev3A_705 = tpu.dynamic_gather %masked_sort3A_695[%rev3A_704] in [0] : vector<16xi32>, vector<16xi32> -> vector<16xi32>
          %le3A_706 = arith.cmpf ole, %cond3A_655#0, %rev3A_700 : vector<16xf32>
          %select_n3A_707 = arith.select %le3A_706, %cond3A_655#0, %rev3A_700 : vector<16xi1>, vector<16xf32>
          %select_n3A_708 = arith.select %le3A_706, %cond3A_655#1, %rev3A_705 : vector<16xi1>, vector<16xi32>
          %masked_sort3A_709 = arith.constant dense<true> : vector<16xi1>
          %masked_sort3A_710, %masked_sort3A_711, %masked_sort3A_712 = tpu.sort %select_n3A_707, %select_n3A_708 masked %masked_sort3A_709 : (vector<16xf32>, vector<16xi32>, vector<16xi1>) -> (vector<16xi1>, vector<16xf32>, vector<16xi32>)
          %reduce_max3A_713 = arith.constant true
          %reduce_max3A_714 = vector.broadcast %reduce_max3A_713 : i1 to vector<16xi1>
          %reduce_max3A_715 = tpu.scan <max>, %masked_sort3A_711 masked %reduce_max3A_714 : vector<16xf32>, vector<16xi1> -> vector<16xf32>
          %reduce_max3A_716 = vector.extract %reduce_max3A_715[15] : f32 from vector<16xf32>
          scf.yield %masked_sort3A_711, %masked_sort3A_712, %reduce_max3A_716 : vector<16xf32>, vector<16xi32>, f32
        } else {
          scf.yield %cond3A_655#0, %cond3A_655#1, %cond3A_655#2 : vector<16xf32>, vector<16xi32>, f32
        }
        %add3A_665 = arith.constant 80 : i32
        %add3A_666 = arith.addi %add3A_575, %add3A_665 : i32
        %add3A_667 = vector.broadcast %add3A_666 : i32 to vector<16xi32>
        %add3A_668 = arith.addi %add3A_667, %iota3A : vector<16xi32>
        %lt3A_669 = arith.cmpf olt, %reduce_min3A_611, %cond3A_664#2 : f32
        %convert_element_type3A_670 = arith.extui %lt3A_669 : i1 to i32
        %cond3A_671 = arith.constant 0 : i32
        %cond3A_672 = arith.cmpi ne, %convert_element_type3A_670, %cond3A_671 : i32
        %cond3A_673:3 = scf.if %cond3A_672 -> (vector<16xf32>, vector<16xi32>, f32) {
          %masked_sort3A_692 = arith.constant dense<true> : vector<16xi1>
          %masked_sort3A_693, %masked_sort3A_694, %masked_sort3A_695 = tpu.sort %add3A_528, %add3A_668 masked %masked_sort3A_692 : (vector<16xf32>, vector<16xi32>, vector<16xi1>) -> (vector<16xi1>, vector<16xf32>, vector<16xi32>)
          %rev3A_696 = arith.constant 15 : i32
          %rev3A_697 = vector.broadcast %rev3A_696 : i32 to vector<16xi32>
          %rev3A_698 = tpu.iota {dimensions = array<i32: 0>} : vector<16xi32>
          %rev3A_699 = arith.subi %rev3A_697, %rev3A_698 : vector<16xi32>
          %rev3A_700 = tpu.dynamic_gather %masked_sort3A_694[%rev3A_699] in [0] : vector<16xf32>, vector<16xi32> -> vector<16xf32>
          %rev3A_701 = arith.constant 15 : i32
          %rev3A_702 = vector.broadcast %rev3A_701 : i32 to vector<16xi32>
          %rev3A_703 = tpu.iota {dimensions = array<i32: 0>} : vector<16xi32>
          %rev3A_704 = arith.subi %rev3A_702, %rev3A_703 : vector<16xi32>
          %rev3A_705 = tpu.dynamic_gather %masked_sort3A_695[%rev3A_704] in [0] : vector<16xi32>, vector<16xi32> -> vector<16xi32>
          %le3A_706 = arith.cmpf ole, %cond3A_664#0, %rev3A_700 : vector<16xf32>
          %select_n3A_707 = arith.select %le3A_706, %cond3A_664#0, %rev3A_700 : vector<16xi1>, vector<16xf32>
          %select_n3A_708 = arith.select %le3A_706, %cond3A_664#1, %rev3A_705 : vector<16xi1>, vector<16xi32>
          %masked_sort3A_709 = arith.constant dense<true> : vector<16xi1>
          %masked_sort3A_710, %masked_sort3A_711, %masked_sort3A_712 = tpu.sort %select_n3A_707, %select_n3A_708 masked %masked_sort3A_709 : (vector<16xf32>, vector<16xi32>, vector<16xi1>) -> (vector<16xi1>, vector<16xf32>, vector<16xi32>)
          %reduce_max3A_713 = arith.constant true
          %reduce_max3A_714 = vector.broadcast %reduce_max3A_713 : i1 to vector<16xi1>
          %reduce_max3A_715 = tpu.scan <max>, %masked_sort3A_711 masked %reduce_max3A_714 : vector<16xf32>, vector<16xi1> -> vector<16xf32>
          %reduce_max3A_716 = vector.extract %reduce_max3A_715[15] : f32 from vector<16xf32>
          scf.yield %masked_sort3A_711, %masked_sort3A_712, %reduce_max3A_716 : vector<16xf32>, vector<16xi32>, f32
        } else {
          scf.yield %cond3A_664#0, %cond3A_664#1, %cond3A_664#2 : vector<16xf32>, vector<16xi32>, f32
        }
        %add3A_674 = arith.constant 96 : i32
        %add3A_675 = arith.addi %add3A_575, %add3A_674 : i32
        %add3A_676 = vector.broadcast %add3A_675 : i32 to vector<16xi32>
        %add3A_677 = arith.addi %add3A_676, %iota3A : vector<16xi32>
        %lt3A_678 = arith.cmpf olt, %reduce_min3A_615, %cond3A_673#2 : f32
        %convert_element_type3A_679 = arith.extui %lt3A_678 : i1 to i32
        %cond3A_680 = arith.constant 0 : i32
        %cond3A_681 = arith.cmpi ne, %convert_element_type3A_679, %cond3A_680 : i32
        %cond3A_682:3 = scf.if %cond3A_681 -> (vector<16xf32>, vector<16xi32>, f32) {
          %masked_sort3A_692 = arith.constant dense<true> : vector<16xi1>
          %masked_sort3A_693, %masked_sort3A_694, %masked_sort3A_695 = tpu.sort %add3A_545, %add3A_677 masked %masked_sort3A_692 : (vector<16xf32>, vector<16xi32>, vector<16xi1>) -> (vector<16xi1>, vector<16xf32>, vector<16xi32>)
          %rev3A_696 = arith.constant 15 : i32
          %rev3A_697 = vector.broadcast %rev3A_696 : i32 to vector<16xi32>
          %rev3A_698 = tpu.iota {dimensions = array<i32: 0>} : vector<16xi32>
          %rev3A_699 = arith.subi %rev3A_697, %rev3A_698 : vector<16xi32>
          %rev3A_700 = tpu.dynamic_gather %masked_sort3A_694[%rev3A_699] in [0] : vector<16xf32>, vector<16xi32> -> vector<16xf32>
          %rev3A_701 = arith.constant 15 : i32
          %rev3A_702 = vector.broadcast %rev3A_701 : i32 to vector<16xi32>
          %rev3A_703 = tpu.iota {dimensions = array<i32: 0>} : vector<16xi32>
          %rev3A_704 = arith.subi %rev3A_702, %rev3A_703 : vector<16xi32>
          %rev3A_705 = tpu.dynamic_gather %masked_sort3A_695[%rev3A_704] in [0] : vector<16xi32>, vector<16xi32> -> vector<16xi32>
          %le3A_706 = arith.cmpf ole, %cond3A_673#0, %rev3A_700 : vector<16xf32>
          %select_n3A_707 = arith.select %le3A_706, %cond3A_673#0, %rev3A_700 : vector<16xi1>, vector<16xf32>
          %select_n3A_708 = arith.select %le3A_706, %cond3A_673#1, %rev3A_705 : vector<16xi1>, vector<16xi32>
          %masked_sort3A_709 = arith.constant dense<true> : vector<16xi1>
          %masked_sort3A_710, %masked_sort3A_711, %masked_sort3A_712 = tpu.sort %select_n3A_707, %select_n3A_708 masked %masked_sort3A_709 : (vector<16xf32>, vector<16xi32>, vector<16xi1>) -> (vector<16xi1>, vector<16xf32>, vector<16xi32>)
          %reduce_max3A_713 = arith.constant true
          %reduce_max3A_714 = vector.broadcast %reduce_max3A_713 : i1 to vector<16xi1>
          %reduce_max3A_715 = tpu.scan <max>, %masked_sort3A_711 masked %reduce_max3A_714 : vector<16xf32>, vector<16xi1> -> vector<16xf32>
          %reduce_max3A_716 = vector.extract %reduce_max3A_715[15] : f32 from vector<16xf32>
          scf.yield %masked_sort3A_711, %masked_sort3A_712, %reduce_max3A_716 : vector<16xf32>, vector<16xi32>, f32
        } else {
          scf.yield %cond3A_673#0, %cond3A_673#1, %cond3A_673#2 : vector<16xf32>, vector<16xi32>, f32
        }
        %add3A_683 = arith.constant 112 : i32
        %add3A_684 = arith.addi %add3A_575, %add3A_683 : i32
        %add3A_685 = vector.broadcast %add3A_684 : i32 to vector<16xi32>
        %add3A_686 = arith.addi %add3A_685, %iota3A : vector<16xi32>
        %lt3A_687 = arith.cmpf olt, %reduce_min3A_619, %cond3A_682#2 : f32
        %convert_element_type3A_688 = arith.extui %lt3A_687 : i1 to i32
        %cond3A_689 = arith.constant 0 : i32
        %cond3A_690 = arith.cmpi ne, %convert_element_type3A_688, %cond3A_689 : i32
        %cond3A_691:3 = scf.if %cond3A_690 -> (vector<16xf32>, vector<16xi32>, f32) {
          %masked_sort3A_692 = arith.constant dense<true> : vector<16xi1>
          %masked_sort3A_693, %masked_sort3A_694, %masked_sort3A_695 = tpu.sort %add3A_562, %add3A_686 masked %masked_sort3A_692 : (vector<16xf32>, vector<16xi32>, vector<16xi1>) -> (vector<16xi1>, vector<16xf32>, vector<16xi32>)
          %rev3A_696 = arith.constant 15 : i32
          %rev3A_697 = vector.broadcast %rev3A_696 : i32 to vector<16xi32>
          %rev3A_698 = tpu.iota {dimensions = array<i32: 0>} : vector<16xi32>
          %rev3A_699 = arith.subi %rev3A_697, %rev3A_698 : vector<16xi32>
          %rev3A_700 = tpu.dynamic_gather %masked_sort3A_694[%rev3A_699] in [0] : vector<16xf32>, vector<16xi32> -> vector<16xf32>
          %rev3A_701 = arith.constant 15 : i32
          %rev3A_702 = vector.broadcast %rev3A_701 : i32 to vector<16xi32>
          %rev3A_703 = tpu.iota {dimensions = array<i32: 0>} : vector<16xi32>
          %rev3A_704 = arith.subi %rev3A_702, %rev3A_703 : vector<16xi32>
          %rev3A_705 = tpu.dynamic_gather %masked_sort3A_695[%rev3A_704] in [0] : vector<16xi32>, vector<16xi32> -> vector<16xi32>
          %le3A_706 = arith.cmpf ole, %cond3A_682#0, %rev3A_700 : vector<16xf32>
          %select_n3A_707 = arith.select %le3A_706, %cond3A_682#0, %rev3A_700 : vector<16xi1>, vector<16xf32>
          %select_n3A_708 = arith.select %le3A_706, %cond3A_682#1, %rev3A_705 : vector<16xi1>, vector<16xi32>
          %masked_sort3A_709 = arith.constant dense<true> : vector<16xi1>
          %masked_sort3A_710, %masked_sort3A_711, %masked_sort3A_712 = tpu.sort %select_n3A_707, %select_n3A_708 masked %masked_sort3A_709 : (vector<16xf32>, vector<16xi32>, vector<16xi1>) -> (vector<16xi1>, vector<16xf32>, vector<16xi32>)
          %reduce_max3A_713 = arith.constant true
          %reduce_max3A_714 = vector.broadcast %reduce_max3A_713 : i1 to vector<16xi1>
          %reduce_max3A_715 = tpu.scan <max>, %masked_sort3A_711 masked %reduce_max3A_714 : vector<16xf32>, vector<16xi1> -> vector<16xf32>
          %reduce_max3A_716 = vector.extract %reduce_max3A_715[15] : f32 from vector<16xf32>
          scf.yield %masked_sort3A_711, %masked_sort3A_712, %reduce_max3A_716 : vector<16xf32>, vector<16xi32>, f32
        } else {
          scf.yield %cond3A_682#0, %cond3A_682#1, %cond3A_682#2 : vector<16xf32>, vector<16xi32>, f32
        }
        scf.yield %cond3A_691#0, %cond3A_691#1, %cond3A_691#2 : vector<16xf32>, vector<16xi32>, f32
      } else {
        scf.yield %scan3A_422, %scan3A_423, %scan3A_424 : vector<16xf32>, vector<16xi32>, f32
      }
      %add3A_580 = arith.constant 128 : i32
      %add3A_581 = arith.addi %scan3A_426, %add3A_580 : i32
      %ge3A = arith.constant 3200 : i32
      %ge3A_582 = arith.cmpi sge, %add3A_581, %ge3A : i32
      %add3A_583 = arith.constant 1 : i32
      %add3A_584 = arith.addi %scan3A_425, %add3A_583 : i32
      %select_n3A_585 = arith.select %ge3A_582, %add3A_584, %scan3A_425 : i32
      %jit3A_586 = arith.constant 0 : i32
      %select_n3A_587 = arith.select %ge3A_582, %jit3A_586, %add3A_581 : i32
      scf.yield %cond3A_579#0, %cond3A_579#1, %cond3A_579#2, %select_n3A_585, %select_n3A_587 : vector<16xf32>, vector<16xi32>, f32, i32, i32
    }
    %scan3A_393 = arith.constant 199 : i32
    %dma_wait3A_394 = arith.constant 0 : i32
    %dma_wait3A_395 = tpu.memref_slice %arg3[%add3A, %dma_wait3A_394, %add3A_50] : memref<16x8x12800xf32, #tpu.memory_space<hbm>> -> memref<1x8x3200xf32, #tpu.memory_space<hbm>>
    %dma_wait3A_396 = tpu.memref_squeeze %dma_wait3A_395 : memref<1x8x3200xf32, #tpu.memory_space<hbm>> -> memref<8x3200xf32, #tpu.memory_space<hbm>>
    %dma_wait3A_397 = arith.constant 0 : i32
    %dma_wait3A_398 = tpu.memref_slice %arg3[%add3A, %dma_wait3A_397, %add3A_50] : memref<16x8x12800xf32, #tpu.memory_space<hbm>> -> memref<1x8x3200xf32, #tpu.memory_space<hbm>>
    %dma_wait3A_399 = tpu.memref_squeeze %dma_wait3A_398 : memref<1x8x3200xf32, #tpu.memory_space<hbm>> -> memref<8x3200xf32, #tpu.memory_space<hbm>>
    tpu.wait_dma2 semaphore(%arg18 : memref<!tpu.dma_semaphore, #tpu.memory_space<semaphore_mem>>) src(%dma_wait3A_399 : memref<8x3200xf32, #tpu.memory_space<hbm>>) dst(%arg7 : memref<8x3200xf32, #tpu.memory_space<vmem>>)
    %dma_wait3A_400 = arith.constant 0 : i32
    %dma_wait3A_401 = tpu.memref_slice %arg4[%add3A, %dma_wait3A_400, %add3A_58] : memref<16x8x12800xf32, #tpu.memory_space<hbm>> -> memref<1x8x3200xf32, #tpu.memory_space<hbm>>
    %dma_wait3A_402 = tpu.memref_squeeze %dma_wait3A_401 : memref<1x8x3200xf32, #tpu.memory_space<hbm>> -> memref<8x3200xf32, #tpu.memory_space<hbm>>
    %dma_wait3A_403 = arith.constant 0 : i32
    %dma_wait3A_404 = tpu.memref_slice %arg4[%add3A, %dma_wait3A_403, %add3A_58] : memref<16x8x12800xf32, #tpu.memory_space<hbm>> -> memref<1x8x3200xf32, #tpu.memory_space<hbm>>
    %dma_wait3A_405 = tpu.memref_squeeze %dma_wait3A_404 : memref<1x8x3200xf32, #tpu.memory_space<hbm>> -> memref<8x3200xf32, #tpu.memory_space<hbm>>
    tpu.wait_dma2 semaphore(%arg20 : memref<!tpu.dma_semaphore, #tpu.memory_space<semaphore_mem>>) src(%dma_wait3A_405 : memref<8x3200xf32, #tpu.memory_space<hbm>>) dst(%arg9 : memref<8x3200xf32, #tpu.memory_space<vmem>>)
    %add3A_406 = arith.constant 3200 : i32
    %add3A_407 = arith.addi %mul3A_23, %add3A_406 : i32
    %scan3A_408 = arith.constant 0 : i32
    %scan3A_409 = arith.constant 0 : i32
    %scan3A_410 = arith.constant 0 : i32
    %scan3A_411 = arith.constant 200 : i32
    %scan3A_412 = arith.addi %scan3A_410, %scan3A_411 : i32
    %scan3A_413 = arith.constant 1 : i32
    %scan3A_414:5 = scf.for %scan3A_421 = %scan3A_410 to %scan3A_412 step %scan3A_413 iter_args(%scan3A_422 = %scan3A_392#0, %scan3A_423 = %scan3A_392#1, %scan3A_424 = %scan3A_392#2, %scan3A_425 = %scan3A_408, %scan3A_426 = %scan3A_409) -> (vector<16xf32>, vector<16xi32>, f32, i32, i32)  : i32 {
      %add3A_427 = arith.constant 0 : i32
      %add3A_428 = arith.addi %scan3A_426, %add3A_427 : i32
      %get3A_429 = arith.index_cast %scan3A_425 : i32 to index
      %get3A_430 = arith.index_cast %add3A_428 : i32 to index
      %get3A_431 = tpu.vector_load %arg7[%get3A_429, %get3A_430] {strides = array<i32>} : memref<8x3200xf32, #tpu.memory_space<vmem>>, vector<16xf32>,
      %add3A_432 = arith.constant 0 : i32
      %add3A_433 = arith.addi %scan3A_426, %add3A_432 : i32
      %get3A_434 = arith.index_cast %scan3A_425 : i32 to index
      %get3A_435 = arith.index_cast %add3A_433 : i32 to index
      %get3A_436 = tpu.vector_load %arg9[%get3A_434, %get3A_435] {strides = array<i32>} : memref<8x3200xf32, #tpu.memory_space<vmem>>, vector<16xf32>,
      %sub3A_437 = vector.broadcast %squeeze3A : f32 to vector<16xf32>
      %sub3A_438 = arith.subf %get3A_431, %sub3A_437 : vector<16xf32>
      %sub3A_439 = vector.broadcast %squeeze3A_21 : f32 to vector<16xf32>
      %sub3A_440 = arith.subf %get3A_436, %sub3A_439 : vector<16xf32>
      %mul3A_441 = arith.mulf %sub3A_438, %sub3A_438 : vector<16xf32>
      %mul3A_442 = arith.mulf %sub3A_440, %sub3A_440 : vector<16xf32>
      %add3A_443 = arith.addf %mul3A_441, %mul3A_442 : vector<16xf32>
      %add3A_444 = arith.constant 16 : i32
      %add3A_445 = arith.addi %scan3A_426, %add3A_444 : i32
      %get3A_446 = arith.index_cast %scan3A_425 : i32 to index
      %get3A_447 = arith.index_cast %add3A_445 : i32 to index
      %get3A_448 = tpu.vector_load %arg7[%get3A_446, %get3A_447] {strides = array<i32>} : memref<8x3200xf32, #tpu.memory_space<vmem>>, vector<16xf32>,
      %add3A_449 = arith.constant 16 : i32
      %add3A_450 = arith.addi %scan3A_426, %add3A_449 : i32
      %get3A_451 = arith.index_cast %scan3A_425 : i32 to index
      %get3A_452 = arith.index_cast %add3A_450 : i32 to index
      %get3A_453 = tpu.vector_load %arg9[%get3A_451, %get3A_452] {strides = array<i32>} : memref<8x3200xf32, #tpu.memory_space<vmem>>, vector<16xf32>,
      %sub3A_454 = vector.broadcast %squeeze3A : f32 to vector<16xf32>
      %sub3A_455 = arith.subf %get3A_448, %sub3A_454 : vector<16xf32>
      %sub3A_456 = vector.broadcast %squeeze3A_21 : f32 to vector<16xf32>
      %sub3A_457 = arith.subf %get3A_453, %sub3A_456 : vector<16xf32>
      %mul3A_458 = arith.mulf %sub3A_455, %sub3A_455 : vector<16xf32>
      %mul3A_459 = arith.mulf %sub3A_457, %sub3A_457 : vector<16xf32>
      %add3A_460 = arith.addf %mul3A_458, %mul3A_459 : vector<16xf32>
      %add3A_461 = arith.constant 32 : i32
      %add3A_462 = arith.addi %scan3A_426, %add3A_461 : i32
      %get3A_463 = arith.index_cast %scan3A_425 : i32 to index
      %get3A_464 = arith.index_cast %add3A_462 : i32 to index
      %get3A_465 = tpu.vector_load %arg7[%get3A_463, %get3A_464] {strides = array<i32>} : memref<8x3200xf32, #tpu.memory_space<vmem>>, vector<16xf32>,
      %add3A_466 = arith.constant 32 : i32
      %add3A_467 = arith.addi %scan3A_426, %add3A_466 : i32
      %get3A_468 = arith.index_cast %scan3A_425 : i32 to index
      %get3A_469 = arith.index_cast %add3A_467 : i32 to index
      %get3A_470 = tpu.vector_load %arg9[%get3A_468, %get3A_469] {strides = array<i32>} : memref<8x3200xf32, #tpu.memory_space<vmem>>, vector<16xf32>,
      %sub3A_471 = vector.broadcast %squeeze3A : f32 to vector<16xf32>
      %sub3A_472 = arith.subf %get3A_465, %sub3A_471 : vector<16xf32>
      %sub3A_473 = vector.broadcast %squeeze3A_21 : f32 to vector<16xf32>
      %sub3A_474 = arith.subf %get3A_470, %sub3A_473 : vector<16xf32>
      %mul3A_475 = arith.mulf %sub3A_472, %sub3A_472 : vector<16xf32>
      %mul3A_476 = arith.mulf %sub3A_474, %sub3A_474 : vector<16xf32>
      %add3A_477 = arith.addf %mul3A_475, %mul3A_476 : vector<16xf32>
      %add3A_478 = arith.constant 48 : i32
      %add3A_479 = arith.addi %scan3A_426, %add3A_478 : i32
      %get3A_480 = arith.index_cast %scan3A_425 : i32 to index
      %get3A_481 = arith.index_cast %add3A_479 : i32 to index
      %get3A_482 = tpu.vector_load %arg7[%get3A_480, %get3A_481] {strides = array<i32>} : memref<8x3200xf32, #tpu.memory_space<vmem>>, vector<16xf32>,
      %add3A_483 = arith.constant 48 : i32
      %add3A_484 = arith.addi %scan3A_426, %add3A_483 : i32
      %get3A_485 = arith.index_cast %scan3A_425 : i32 to index
      %get3A_486 = arith.index_cast %add3A_484 : i32 to index
      %get3A_487 = tpu.vector_load %arg9[%get3A_485, %get3A_486] {strides = array<i32>} : memref<8x3200xf32, #tpu.memory_space<vmem>>, vector<16xf32>,
      %sub3A_488 = vector.broadcast %squeeze3A : f32 to vector<16xf32>
      %sub3A_489 = arith.subf %get3A_482, %sub3A_488 : vector<16xf32>
      %sub3A_490 = vector.broadcast %squeeze3A_21 : f32 to vector<16xf32>
      %sub3A_491 = arith.subf %get3A_487, %sub3A_490 : vector<16xf32>
      %mul3A_492 = arith.mulf %sub3A_489, %sub3A_489 : vector<16xf32>
      %mul3A_493 = arith.mulf %sub3A_491, %sub3A_491 : vector<16xf32>
      %add3A_494 = arith.addf %mul3A_492, %mul3A_493 : vector<16xf32>
      %add3A_495 = arith.constant 64 : i32
      %add3A_496 = arith.addi %scan3A_426, %add3A_495 : i32
      %get3A_497 = arith.index_cast %scan3A_425 : i32 to index
      %get3A_498 = arith.index_cast %add3A_496 : i32 to index
      %get3A_499 = tpu.vector_load %arg7[%get3A_497, %get3A_498] {strides = array<i32>} : memref<8x3200xf32, #tpu.memory_space<vmem>>, vector<16xf32>,
      %add3A_500 = arith.constant 64 : i32
      %add3A_501 = arith.addi %scan3A_426, %add3A_500 : i32
      %get3A_502 = arith.index_cast %scan3A_425 : i32 to index
      %get3A_503 = arith.index_cast %add3A_501 : i32 to index
      %get3A_504 = tpu.vector_load %arg9[%get3A_502, %get3A_503] {strides = array<i32>} : memref<8x3200xf32, #tpu.memory_space<vmem>>, vector<16xf32>,
      %sub3A_505 = vector.broadcast %squeeze3A : f32 to vector<16xf32>
      %sub3A_506 = arith.subf %get3A_499, %sub3A_505 : vector<16xf32>
      %sub3A_507 = vector.broadcast %squeeze3A_21 : f32 to vector<16xf32>
      %sub3A_508 = arith.subf %get3A_504, %sub3A_507 : vector<16xf32>
      %mul3A_509 = arith.mulf %sub3A_506, %sub3A_506 : vector<16xf32>
      %mul3A_510 = arith.mulf %sub3A_508, %sub3A_508 : vector<16xf32>
      %add3A_511 = arith.addf %mul3A_509, %mul3A_510 : vector<16xf32>
      %add3A_512 = arith.constant 80 : i32
      %add3A_513 = arith.addi %scan3A_426, %add3A_512 : i32
      %get3A_514 = arith.index_cast %scan3A_425 : i32 to index
      %get3A_515 = arith.index_cast %add3A_513 : i32 to index
      %get3A_516 = tpu.vector_load %arg7[%get3A_514, %get3A_515] {strides = array<i32>} : memref<8x3200xf32, #tpu.memory_space<vmem>>, vector<16xf32>,
      %add3A_517 = arith.constant 80 : i32
      %add3A_518 = arith.addi %scan3A_426, %add3A_517 : i32
      %get3A_519 = arith.index_cast %scan3A_425 : i32 to index
      %get3A_520 = arith.index_cast %add3A_518 : i32 to index
      %get3A_521 = tpu.vector_load %arg9[%get3A_519, %get3A_520] {strides = array<i32>} : memref<8x3200xf32, #tpu.memory_space<vmem>>, vector<16xf32>,
      %sub3A_522 = vector.broadcast %squeeze3A : f32 to vector<16xf32>
      %sub3A_523 = arith.subf %get3A_516, %sub3A_522 : vector<16xf32>
      %sub3A_524 = vector.broadcast %squeeze3A_21 : f32 to vector<16xf32>
      %sub3A_525 = arith.subf %get3A_521, %sub3A_524 : vector<16xf32>
      %mul3A_526 = arith.mulf %sub3A_523, %sub3A_523 : vector<16xf32>
      %mul3A_527 = arith.mulf %sub3A_525, %sub3A_525 : vector<16xf32>
      %add3A_528 = arith.addf %mul3A_526, %mul3A_527 : vector<16xf32>
      %add3A_529 = arith.constant 96 : i32
      %add3A_530 = arith.addi %scan3A_426, %add3A_529 : i32
      %get3A_531 = arith.index_cast %scan3A_425 : i32 to index
      %get3A_532 = arith.index_cast %add3A_530 : i32 to index
      %get3A_533 = tpu.vector_load %arg7[%get3A_531, %get3A_532] {strides = array<i32>} : memref<8x3200xf32, #tpu.memory_space<vmem>>, vector<16xf32>,
      %add3A_534 = arith.constant 96 : i32
      %add3A_535 = arith.addi %scan3A_426, %add3A_534 : i32
      %get3A_536 = arith.index_cast %scan3A_425 : i32 to index
      %get3A_537 = arith.index_cast %add3A_535 : i32 to index
      %get3A_538 = tpu.vector_load %arg9[%get3A_536, %get3A_537] {strides = array<i32>} : memref<8x3200xf32, #tpu.memory_space<vmem>>, vector<16xf32>,
      %sub3A_539 = vector.broadcast %squeeze3A : f32 to vector<16xf32>
      %sub3A_540 = arith.subf %get3A_533, %sub3A_539 : vector<16xf32>
      %sub3A_541 = vector.broadcast %squeeze3A_21 : f32 to vector<16xf32>
      %sub3A_542 = arith.subf %get3A_538, %sub3A_541 : vector<16xf32>
      %mul3A_543 = arith.mulf %sub3A_540, %sub3A_540 : vector<16xf32>
      %mul3A_544 = arith.mulf %sub3A_542, %sub3A_542 : vector<16xf32>
      %add3A_545 = arith.addf %mul3A_543, %mul3A_544 : vector<16xf32>
      %add3A_546 = arith.constant 112 : i32
      %add3A_547 = arith.addi %scan3A_426, %add3A_546 : i32
      %get3A_548 = arith.index_cast %scan3A_425 : i32 to index
      %get3A_549 = arith.index_cast %add3A_547 : i32 to index
      %get3A_550 = tpu.vector_load %arg7[%get3A_548, %get3A_549] {strides = array<i32>} : memref<8x3200xf32, #tpu.memory_space<vmem>>, vector<16xf32>,
      %add3A_551 = arith.constant 112 : i32
      %add3A_552 = arith.addi %scan3A_426, %add3A_551 : i32
      %get3A_553 = arith.index_cast %scan3A_425 : i32 to index
      %get3A_554 = arith.index_cast %add3A_552 : i32 to index
      %get3A_555 = tpu.vector_load %arg9[%get3A_553, %get3A_554] {strides = array<i32>} : memref<8x3200xf32, #tpu.memory_space<vmem>>, vector<16xf32>,
      %sub3A_556 = vector.broadcast %squeeze3A : f32 to vector<16xf32>
      %sub3A_557 = arith.subf %get3A_550, %sub3A_556 : vector<16xf32>
      %sub3A_558 = vector.broadcast %squeeze3A_21 : f32 to vector<16xf32>
      %sub3A_559 = arith.subf %get3A_555, %sub3A_558 : vector<16xf32>
      %mul3A_560 = arith.mulf %sub3A_557, %sub3A_557 : vector<16xf32>
      %mul3A_561 = arith.mulf %sub3A_559, %sub3A_559 : vector<16xf32>
      %add3A_562 = arith.addf %mul3A_560, %mul3A_561 : vector<16xf32>
      %min3A = arith.minimumf %add3A_443, %add3A_460 : vector<16xf32>
      %min3A_563 = arith.minimumf %min3A, %add3A_477 : vector<16xf32>
      %min3A_564 = arith.minimumf %min3A_563, %add3A_494 : vector<16xf32>
      %min3A_565 = arith.minimumf %min3A_564, %add3A_511 : vector<16xf32>
      %min3A_566 = arith.minimumf %min3A_565, %add3A_528 : vector<16xf32>
      %min3A_567 = arith.minimumf %min3A_566, %add3A_545 : vector<16xf32>
      %min3A_568 = arith.minimumf %min3A_567, %add3A_562 : vector<16xf32>
      %reduce_min3A = arith.constant true
      %reduce_min3A_569 = vector.broadcast %reduce_min3A : i1 to vector<16xi1>
      %reduce_min3A_570 = tpu.scan <min>, %min3A_568 masked %reduce_min3A_569 : vector<16xf32>, vector<16xi1> -> vector<16xf32>
      %reduce_min3A_571 = vector.extract %reduce_min3A_570[15] : f32 from vector<16xf32>
      %lt3A = arith.cmpf olt, %reduce_min3A_571, %scan3A_424 : f32
      %mul3A_572 = arith.constant 12800 : i32
      %mul3A_573 = arith.muli %scan3A_425, %mul3A_572 : i32
      %add3A_574 = arith.addi %mul3A_573, %add3A_407 : i32
      %add3A_575 = arith.addi %add3A_574, %scan3A_426 : i32
      %convert_element_type3A_576 = arith.extui %lt3A : i1 to i32
      %cond3A_577 = arith.constant 0 : i32
      %cond3A_578 = arith.cmpi ne, %convert_element_type3A_576, %cond3A_577 : i32
      %cond3A_579:3 = scf.if %cond3A_578 -> (vector<16xf32>, vector<16xi32>, f32) {
        %reduce_min3A_588 = arith.constant true
        %reduce_min3A_589 = vector.broadcast %reduce_min3A_588 : i1 to vector<16xi1>
        %reduce_min3A_590 = tpu.scan <min>, %add3A_443 masked %reduce_min3A_589 : vector<16xf32>, vector<16xi1> -> vector<16xf32>
        %reduce_min3A_591 = vector.extract %reduce_min3A_590[15] : f32 from vector<16xf32>
        %reduce_min3A_592 = arith.constant true
        %reduce_min3A_593 = vector.broadcast %reduce_min3A_592 : i1 to vector<16xi1>
        %reduce_min3A_594 = tpu.scan <min>, %add3A_460 masked %reduce_min3A_593 : vector<16xf32>, vector<16xi1> -> vector<16xf32>
        %reduce_min3A_595 = vector.extract %reduce_min3A_594[15] : f32 from vector<16xf32>
        %reduce_min3A_596 = arith.constant true
        %reduce_min3A_597 = vector.broadcast %reduce_min3A_596 : i1 to vector<16xi1>
        %reduce_min3A_598 = tpu.scan <min>, %add3A_477 masked %reduce_min3A_597 : vector<16xf32>, vector<16xi1> -> vector<16xf32>
        %reduce_min3A_599 = vector.extract %reduce_min3A_598[15] : f32 from vector<16xf32>
        %reduce_min3A_600 = arith.constant true
        %reduce_min3A_601 = vector.broadcast %reduce_min3A_600 : i1 to vector<16xi1>
        %reduce_min3A_602 = tpu.scan <min>, %add3A_494 masked %reduce_min3A_601 : vector<16xf32>, vector<16xi1> -> vector<16xf32>
        %reduce_min3A_603 = vector.extract %reduce_min3A_602[15] : f32 from vector<16xf32>
        %reduce_min3A_604 = arith.constant true
        %reduce_min3A_605 = vector.broadcast %reduce_min3A_604 : i1 to vector<16xi1>
        %reduce_min3A_606 = tpu.scan <min>, %add3A_511 masked %reduce_min3A_605 : vector<16xf32>, vector<16xi1> -> vector<16xf32>
        %reduce_min3A_607 = vector.extract %reduce_min3A_606[15] : f32 from vector<16xf32>
        %reduce_min3A_608 = arith.constant true
        %reduce_min3A_609 = vector.broadcast %reduce_min3A_608 : i1 to vector<16xi1>
        %reduce_min3A_610 = tpu.scan <min>, %add3A_528 masked %reduce_min3A_609 : vector<16xf32>, vector<16xi1> -> vector<16xf32>
        %reduce_min3A_611 = vector.extract %reduce_min3A_610[15] : f32 from vector<16xf32>
        %reduce_min3A_612 = arith.constant true
        %reduce_min3A_613 = vector.broadcast %reduce_min3A_612 : i1 to vector<16xi1>
        %reduce_min3A_614 = tpu.scan <min>, %add3A_545 masked %reduce_min3A_613 : vector<16xf32>, vector<16xi1> -> vector<16xf32>
        %reduce_min3A_615 = vector.extract %reduce_min3A_614[15] : f32 from vector<16xf32>
        %reduce_min3A_616 = arith.constant true
        %reduce_min3A_617 = vector.broadcast %reduce_min3A_616 : i1 to vector<16xi1>
        %reduce_min3A_618 = tpu.scan <min>, %add3A_562 masked %reduce_min3A_617 : vector<16xf32>, vector<16xi1> -> vector<16xf32>
        %reduce_min3A_619 = vector.extract %reduce_min3A_618[15] : f32 from vector<16xf32>
        %add3A_620 = arith.constant 0 : i32
        %add3A_621 = arith.addi %add3A_575, %add3A_620 : i32
        %add3A_622 = vector.broadcast %add3A_621 : i32 to vector<16xi32>
        %add3A_623 = arith.addi %add3A_622, %iota3A : vector<16xi32>
        %lt3A_624 = arith.cmpf olt, %reduce_min3A_591, %scan3A_424 : f32
        %convert_element_type3A_625 = arith.extui %lt3A_624 : i1 to i32
        %cond3A_626 = arith.constant 0 : i32
        %cond3A_627 = arith.cmpi ne, %convert_element_type3A_625, %cond3A_626 : i32
        %cond3A_628:3 = scf.if %cond3A_627 -> (vector<16xf32>, vector<16xi32>, f32) {
          %masked_sort3A_692 = arith.constant dense<true> : vector<16xi1>
          %masked_sort3A_693, %masked_sort3A_694, %masked_sort3A_695 = tpu.sort %add3A_443, %add3A_623 masked %masked_sort3A_692 : (vector<16xf32>, vector<16xi32>, vector<16xi1>) -> (vector<16xi1>, vector<16xf32>, vector<16xi32>)
          %rev3A_696 = arith.constant 15 : i32
          %rev3A_697 = vector.broadcast %rev3A_696 : i32 to vector<16xi32>
          %rev3A_698 = tpu.iota {dimensions = array<i32: 0>} : vector<16xi32>
          %rev3A_699 = arith.subi %rev3A_697, %rev3A_698 : vector<16xi32>
          %rev3A_700 = tpu.dynamic_gather %masked_sort3A_694[%rev3A_699] in [0] : vector<16xf32>, vector<16xi32> -> vector<16xf32>
          %rev3A_701 = arith.constant 15 : i32
          %rev3A_702 = vector.broadcast %rev3A_701 : i32 to vector<16xi32>
          %rev3A_703 = tpu.iota {dimensions = array<i32: 0>} : vector<16xi32>
          %rev3A_704 = arith.subi %rev3A_702, %rev3A_703 : vector<16xi32>
          %rev3A_705 = tpu.dynamic_gather %masked_sort3A_695[%rev3A_704] in [0] : vector<16xi32>, vector<16xi32> -> vector<16xi32>
          %le3A_706 = arith.cmpf ole, %scan3A_422, %rev3A_700 : vector<16xf32>
          %select_n3A_707 = arith.select %le3A_706, %scan3A_422, %rev3A_700 : vector<16xi1>, vector<16xf32>
          %select_n3A_708 = arith.select %le3A_706, %scan3A_423, %rev3A_705 : vector<16xi1>, vector<16xi32>
          %masked_sort3A_709 = arith.constant dense<true> : vector<16xi1>
          %masked_sort3A_710, %masked_sort3A_711, %masked_sort3A_712 = tpu.sort %select_n3A_707, %select_n3A_708 masked %masked_sort3A_709 : (vector<16xf32>, vector<16xi32>, vector<16xi1>) -> (vector<16xi1>, vector<16xf32>, vector<16xi32>)
          %reduce_max3A_713 = arith.constant true
          %reduce_max3A_714 = vector.broadcast %reduce_max3A_713 : i1 to vector<16xi1>
          %reduce_max3A_715 = tpu.scan <max>, %masked_sort3A_711 masked %reduce_max3A_714 : vector<16xf32>, vector<16xi1> -> vector<16xf32>
          %reduce_max3A_716 = vector.extract %reduce_max3A_715[15] : f32 from vector<16xf32>
          scf.yield %masked_sort3A_711, %masked_sort3A_712, %reduce_max3A_716 : vector<16xf32>, vector<16xi32>, f32
        } else {
          scf.yield %scan3A_422, %scan3A_423, %scan3A_424 : vector<16xf32>, vector<16xi32>, f32
        }
        %add3A_629 = arith.constant 16 : i32
        %add3A_630 = arith.addi %add3A_575, %add3A_629 : i32
        %add3A_631 = vector.broadcast %add3A_630 : i32 to vector<16xi32>
        %add3A_632 = arith.addi %add3A_631, %iota3A : vector<16xi32>
        %lt3A_633 = arith.cmpf olt, %reduce_min3A_595, %cond3A_628#2 : f32
        %convert_element_type3A_634 = arith.extui %lt3A_633 : i1 to i32
        %cond3A_635 = arith.constant 0 : i32
        %cond3A_636 = arith.cmpi ne, %convert_element_type3A_634, %cond3A_635 : i32
        %cond3A_637:3 = scf.if %cond3A_636 -> (vector<16xf32>, vector<16xi32>, f32) {
          %masked_sort3A_692 = arith.constant dense<true> : vector<16xi1>
          %masked_sort3A_693, %masked_sort3A_694, %masked_sort3A_695 = tpu.sort %add3A_460, %add3A_632 masked %masked_sort3A_692 : (vector<16xf32>, vector<16xi32>, vector<16xi1>) -> (vector<16xi1>, vector<16xf32>, vector<16xi32>)
          %rev3A_696 = arith.constant 15 : i32
          %rev3A_697 = vector.broadcast %rev3A_696 : i32 to vector<16xi32>
          %rev3A_698 = tpu.iota {dimensions = array<i32: 0>} : vector<16xi32>
          %rev3A_699 = arith.subi %rev3A_697, %rev3A_698 : vector<16xi32>
          %rev3A_700 = tpu.dynamic_gather %masked_sort3A_694[%rev3A_699] in [0] : vector<16xf32>, vector<16xi32> -> vector<16xf32>
          %rev3A_701 = arith.constant 15 : i32
          %rev3A_702 = vector.broadcast %rev3A_701 : i32 to vector<16xi32>
          %rev3A_703 = tpu.iota {dimensions = array<i32: 0>} : vector<16xi32>
          %rev3A_704 = arith.subi %rev3A_702, %rev3A_703 : vector<16xi32>
          %rev3A_705 = tpu.dynamic_gather %masked_sort3A_695[%rev3A_704] in [0] : vector<16xi32>, vector<16xi32> -> vector<16xi32>
          %le3A_706 = arith.cmpf ole, %cond3A_628#0, %rev3A_700 : vector<16xf32>
          %select_n3A_707 = arith.select %le3A_706, %cond3A_628#0, %rev3A_700 : vector<16xi1>, vector<16xf32>
          %select_n3A_708 = arith.select %le3A_706, %cond3A_628#1, %rev3A_705 : vector<16xi1>, vector<16xi32>
          %masked_sort3A_709 = arith.constant dense<true> : vector<16xi1>
          %masked_sort3A_710, %masked_sort3A_711, %masked_sort3A_712 = tpu.sort %select_n3A_707, %select_n3A_708 masked %masked_sort3A_709 : (vector<16xf32>, vector<16xi32>, vector<16xi1>) -> (vector<16xi1>, vector<16xf32>, vector<16xi32>)
          %reduce_max3A_713 = arith.constant true
          %reduce_max3A_714 = vector.broadcast %reduce_max3A_713 : i1 to vector<16xi1>
          %reduce_max3A_715 = tpu.scan <max>, %masked_sort3A_711 masked %reduce_max3A_714 : vector<16xf32>, vector<16xi1> -> vector<16xf32>
          %reduce_max3A_716 = vector.extract %reduce_max3A_715[15] : f32 from vector<16xf32>
          scf.yield %masked_sort3A_711, %masked_sort3A_712, %reduce_max3A_716 : vector<16xf32>, vector<16xi32>, f32
        } else {
          scf.yield %cond3A_628#0, %cond3A_628#1, %cond3A_628#2 : vector<16xf32>, vector<16xi32>, f32
        }
        %add3A_638 = arith.constant 32 : i32
        %add3A_639 = arith.addi %add3A_575, %add3A_638 : i32
        %add3A_640 = vector.broadcast %add3A_639 : i32 to vector<16xi32>
        %add3A_641 = arith.addi %add3A_640, %iota3A : vector<16xi32>
        %lt3A_642 = arith.cmpf olt, %reduce_min3A_599, %cond3A_637#2 : f32
        %convert_element_type3A_643 = arith.extui %lt3A_642 : i1 to i32
        %cond3A_644 = arith.constant 0 : i32
        %cond3A_645 = arith.cmpi ne, %convert_element_type3A_643, %cond3A_644 : i32
        %cond3A_646:3 = scf.if %cond3A_645 -> (vector<16xf32>, vector<16xi32>, f32) {
          %masked_sort3A_692 = arith.constant dense<true> : vector<16xi1>
          %masked_sort3A_693, %masked_sort3A_694, %masked_sort3A_695 = tpu.sort %add3A_477, %add3A_641 masked %masked_sort3A_692 : (vector<16xf32>, vector<16xi32>, vector<16xi1>) -> (vector<16xi1>, vector<16xf32>, vector<16xi32>)
          %rev3A_696 = arith.constant 15 : i32
          %rev3A_697 = vector.broadcast %rev3A_696 : i32 to vector<16xi32>
          %rev3A_698 = tpu.iota {dimensions = array<i32: 0>} : vector<16xi32>
          %rev3A_699 = arith.subi %rev3A_697, %rev3A_698 : vector<16xi32>
          %rev3A_700 = tpu.dynamic_gather %masked_sort3A_694[%rev3A_699] in [0] : vector<16xf32>, vector<16xi32> -> vector<16xf32>
          %rev3A_701 = arith.constant 15 : i32
          %rev3A_702 = vector.broadcast %rev3A_701 : i32 to vector<16xi32>
          %rev3A_703 = tpu.iota {dimensions = array<i32: 0>} : vector<16xi32>
          %rev3A_704 = arith.subi %rev3A_702, %rev3A_703 : vector<16xi32>
          %rev3A_705 = tpu.dynamic_gather %masked_sort3A_695[%rev3A_704] in [0] : vector<16xi32>, vector<16xi32> -> vector<16xi32>
          %le3A_706 = arith.cmpf ole, %cond3A_637#0, %rev3A_700 : vector<16xf32>
          %select_n3A_707 = arith.select %le3A_706, %cond3A_637#0, %rev3A_700 : vector<16xi1>, vector<16xf32>
          %select_n3A_708 = arith.select %le3A_706, %cond3A_637#1, %rev3A_705 : vector<16xi1>, vector<16xi32>
          %masked_sort3A_709 = arith.constant dense<true> : vector<16xi1>
          %masked_sort3A_710, %masked_sort3A_711, %masked_sort3A_712 = tpu.sort %select_n3A_707, %select_n3A_708 masked %masked_sort3A_709 : (vector<16xf32>, vector<16xi32>, vector<16xi1>) -> (vector<16xi1>, vector<16xf32>, vector<16xi32>)
          %reduce_max3A_713 = arith.constant true
          %reduce_max3A_714 = vector.broadcast %reduce_max3A_713 : i1 to vector<16xi1>
          %reduce_max3A_715 = tpu.scan <max>, %masked_sort3A_711 masked %reduce_max3A_714 : vector<16xf32>, vector<16xi1> -> vector<16xf32>
          %reduce_max3A_716 = vector.extract %reduce_max3A_715[15] : f32 from vector<16xf32>
          scf.yield %masked_sort3A_711, %masked_sort3A_712, %reduce_max3A_716 : vector<16xf32>, vector<16xi32>, f32
        } else {
          scf.yield %cond3A_637#0, %cond3A_637#1, %cond3A_637#2 : vector<16xf32>, vector<16xi32>, f32
        }
        %add3A_647 = arith.constant 48 : i32
        %add3A_648 = arith.addi %add3A_575, %add3A_647 : i32
        %add3A_649 = vector.broadcast %add3A_648 : i32 to vector<16xi32>
        %add3A_650 = arith.addi %add3A_649, %iota3A : vector<16xi32>
        %lt3A_651 = arith.cmpf olt, %reduce_min3A_603, %cond3A_646#2 : f32
        %convert_element_type3A_652 = arith.extui %lt3A_651 : i1 to i32
        %cond3A_653 = arith.constant 0 : i32
        %cond3A_654 = arith.cmpi ne, %convert_element_type3A_652, %cond3A_653 : i32
        %cond3A_655:3 = scf.if %cond3A_654 -> (vector<16xf32>, vector<16xi32>, f32) {
          %masked_sort3A_692 = arith.constant dense<true> : vector<16xi1>
          %masked_sort3A_693, %masked_sort3A_694, %masked_sort3A_695 = tpu.sort %add3A_494, %add3A_650 masked %masked_sort3A_692 : (vector<16xf32>, vector<16xi32>, vector<16xi1>) -> (vector<16xi1>, vector<16xf32>, vector<16xi32>)
          %rev3A_696 = arith.constant 15 : i32
          %rev3A_697 = vector.broadcast %rev3A_696 : i32 to vector<16xi32>
          %rev3A_698 = tpu.iota {dimensions = array<i32: 0>} : vector<16xi32>
          %rev3A_699 = arith.subi %rev3A_697, %rev3A_698 : vector<16xi32>
          %rev3A_700 = tpu.dynamic_gather %masked_sort3A_694[%rev3A_699] in [0] : vector<16xf32>, vector<16xi32> -> vector<16xf32>
          %rev3A_701 = arith.constant 15 : i32
          %rev3A_702 = vector.broadcast %rev3A_701 : i32 to vector<16xi32>
          %rev3A_703 = tpu.iota {dimensions = array<i32: 0>} : vector<16xi32>
          %rev3A_704 = arith.subi %rev3A_702, %rev3A_703 : vector<16xi32>
          %rev3A_705 = tpu.dynamic_gather %masked_sort3A_695[%rev3A_704] in [0] : vector<16xi32>, vector<16xi32> -> vector<16xi32>
          %le3A_706 = arith.cmpf ole, %cond3A_646#0, %rev3A_700 : vector<16xf32>
          %select_n3A_707 = arith.select %le3A_706, %cond3A_646#0, %rev3A_700 : vector<16xi1>, vector<16xf32>
          %select_n3A_708 = arith.select %le3A_706, %cond3A_646#1, %rev3A_705 : vector<16xi1>, vector<16xi32>
          %masked_sort3A_709 = arith.constant dense<true> : vector<16xi1>
          %masked_sort3A_710, %masked_sort3A_711, %masked_sort3A_712 = tpu.sort %select_n3A_707, %select_n3A_708 masked %masked_sort3A_709 : (vector<16xf32>, vector<16xi32>, vector<16xi1>) -> (vector<16xi1>, vector<16xf32>, vector<16xi32>)
          %reduce_max3A_713 = arith.constant true
          %reduce_max3A_714 = vector.broadcast %reduce_max3A_713 : i1 to vector<16xi1>
          %reduce_max3A_715 = tpu.scan <max>, %masked_sort3A_711 masked %reduce_max3A_714 : vector<16xf32>, vector<16xi1> -> vector<16xf32>
          %reduce_max3A_716 = vector.extract %reduce_max3A_715[15] : f32 from vector<16xf32>
          scf.yield %masked_sort3A_711, %masked_sort3A_712, %reduce_max3A_716 : vector<16xf32>, vector<16xi32>, f32
        } else {
          scf.yield %cond3A_646#0, %cond3A_646#1, %cond3A_646#2 : vector<16xf32>, vector<16xi32>, f32
        }
        %add3A_656 = arith.constant 64 : i32
        %add3A_657 = arith.addi %add3A_575, %add3A_656 : i32
        %add3A_658 = vector.broadcast %add3A_657 : i32 to vector<16xi32>
        %add3A_659 = arith.addi %add3A_658, %iota3A : vector<16xi32>
        %lt3A_660 = arith.cmpf olt, %reduce_min3A_607, %cond3A_655#2 : f32
        %convert_element_type3A_661 = arith.extui %lt3A_660 : i1 to i32
        %cond3A_662 = arith.constant 0 : i32
        %cond3A_663 = arith.cmpi ne, %convert_element_type3A_661, %cond3A_662 : i32
        %cond3A_664:3 = scf.if %cond3A_663 -> (vector<16xf32>, vector<16xi32>, f32) {
          %masked_sort3A_692 = arith.constant dense<true> : vector<16xi1>
          %masked_sort3A_693, %masked_sort3A_694, %masked_sort3A_695 = tpu.sort %add3A_511, %add3A_659 masked %masked_sort3A_692 : (vector<16xf32>, vector<16xi32>, vector<16xi1>) -> (vector<16xi1>, vector<16xf32>, vector<16xi32>)
          %rev3A_696 = arith.constant 15 : i32
          %rev3A_697 = vector.broadcast %rev3A_696 : i32 to vector<16xi32>
          %rev3A_698 = tpu.iota {dimensions = array<i32: 0>} : vector<16xi32>
          %rev3A_699 = arith.subi %rev3A_697, %rev3A_698 : vector<16xi32>
          %rev3A_700 = tpu.dynamic_gather %masked_sort3A_694[%rev3A_699] in [0] : vector<16xf32>, vector<16xi32> -> vector<16xf32>
          %rev3A_701 = arith.constant 15 : i32
          %rev3A_702 = vector.broadcast %rev3A_701 : i32 to vector<16xi32>
          %rev3A_703 = tpu.iota {dimensions = array<i32: 0>} : vector<16xi32>
          %rev3A_704 = arith.subi %rev3A_702, %rev3A_703 : vector<16xi32>
          %rev3A_705 = tpu.dynamic_gather %masked_sort3A_695[%rev3A_704] in [0] : vector<16xi32>, vector<16xi32> -> vector<16xi32>
          %le3A_706 = arith.cmpf ole, %cond3A_655#0, %rev3A_700 : vector<16xf32>
          %select_n3A_707 = arith.select %le3A_706, %cond3A_655#0, %rev3A_700 : vector<16xi1>, vector<16xf32>
          %select_n3A_708 = arith.select %le3A_706, %cond3A_655#1, %rev3A_705 : vector<16xi1>, vector<16xi32>
          %masked_sort3A_709 = arith.constant dense<true> : vector<16xi1>
          %masked_sort3A_710, %masked_sort3A_711, %masked_sort3A_712 = tpu.sort %select_n3A_707, %select_n3A_708 masked %masked_sort3A_709 : (vector<16xf32>, vector<16xi32>, vector<16xi1>) -> (vector<16xi1>, vector<16xf32>, vector<16xi32>)
          %reduce_max3A_713 = arith.constant true
          %reduce_max3A_714 = vector.broadcast %reduce_max3A_713 : i1 to vector<16xi1>
          %reduce_max3A_715 = tpu.scan <max>, %masked_sort3A_711 masked %reduce_max3A_714 : vector<16xf32>, vector<16xi1> -> vector<16xf32>
          %reduce_max3A_716 = vector.extract %reduce_max3A_715[15] : f32 from vector<16xf32>
          scf.yield %masked_sort3A_711, %masked_sort3A_712, %reduce_max3A_716 : vector<16xf32>, vector<16xi32>, f32
        } else {
          scf.yield %cond3A_655#0, %cond3A_655#1, %cond3A_655#2 : vector<16xf32>, vector<16xi32>, f32
        }
        %add3A_665 = arith.constant 80 : i32
        %add3A_666 = arith.addi %add3A_575, %add3A_665 : i32
        %add3A_667 = vector.broadcast %add3A_666 : i32 to vector<16xi32>
        %add3A_668 = arith.addi %add3A_667, %iota3A : vector<16xi32>
        %lt3A_669 = arith.cmpf olt, %reduce_min3A_611, %cond3A_664#2 : f32
        %convert_element_type3A_670 = arith.extui %lt3A_669 : i1 to i32
        %cond3A_671 = arith.constant 0 : i32
        %cond3A_672 = arith.cmpi ne, %convert_element_type3A_670, %cond3A_671 : i32
        %cond3A_673:3 = scf.if %cond3A_672 -> (vector<16xf32>, vector<16xi32>, f32) {
          %masked_sort3A_692 = arith.constant dense<true> : vector<16xi1>
          %masked_sort3A_693, %masked_sort3A_694, %masked_sort3A_695 = tpu.sort %add3A_528, %add3A_668 masked %masked_sort3A_692 : (vector<16xf32>, vector<16xi32>, vector<16xi1>) -> (vector<16xi1>, vector<16xf32>, vector<16xi32>)
          %rev3A_696 = arith.constant 15 : i32
          %rev3A_697 = vector.broadcast %rev3A_696 : i32 to vector<16xi32>
          %rev3A_698 = tpu.iota {dimensions = array<i32: 0>} : vector<16xi32>
          %rev3A_699 = arith.subi %rev3A_697, %rev3A_698 : vector<16xi32>
          %rev3A_700 = tpu.dynamic_gather %masked_sort3A_694[%rev3A_699] in [0] : vector<16xf32>, vector<16xi32> -> vector<16xf32>
          %rev3A_701 = arith.constant 15 : i32
          %rev3A_702 = vector.broadcast %rev3A_701 : i32 to vector<16xi32>
          %rev3A_703 = tpu.iota {dimensions = array<i32: 0>} : vector<16xi32>
          %rev3A_704 = arith.subi %rev3A_702, %rev3A_703 : vector<16xi32>
          %rev3A_705 = tpu.dynamic_gather %masked_sort3A_695[%rev3A_704] in [0] : vector<16xi32>, vector<16xi32> -> vector<16xi32>
          %le3A_706 = arith.cmpf ole, %cond3A_664#0, %rev3A_700 : vector<16xf32>
          %select_n3A_707 = arith.select %le3A_706, %cond3A_664#0, %rev3A_700 : vector<16xi1>, vector<16xf32>
          %select_n3A_708 = arith.select %le3A_706, %cond3A_664#1, %rev3A_705 : vector<16xi1>, vector<16xi32>
          %masked_sort3A_709 = arith.constant dense<true> : vector<16xi1>
          %masked_sort3A_710, %masked_sort3A_711, %masked_sort3A_712 = tpu.sort %select_n3A_707, %select_n3A_708 masked %masked_sort3A_709 : (vector<16xf32>, vector<16xi32>, vector<16xi1>) -> (vector<16xi1>, vector<16xf32>, vector<16xi32>)
          %reduce_max3A_713 = arith.constant true
          %reduce_max3A_714 = vector.broadcast %reduce_max3A_713 : i1 to vector<16xi1>
          %reduce_max3A_715 = tpu.scan <max>, %masked_sort3A_711 masked %reduce_max3A_714 : vector<16xf32>, vector<16xi1> -> vector<16xf32>
          %reduce_max3A_716 = vector.extract %reduce_max3A_715[15] : f32 from vector<16xf32>
          scf.yield %masked_sort3A_711, %masked_sort3A_712, %reduce_max3A_716 : vector<16xf32>, vector<16xi32>, f32
        } else {
          scf.yield %cond3A_664#0, %cond3A_664#1, %cond3A_664#2 : vector<16xf32>, vector<16xi32>, f32
        }
        %add3A_674 = arith.constant 96 : i32
        %add3A_675 = arith.addi %add3A_575, %add3A_674 : i32
        %add3A_676 = vector.broadcast %add3A_675 : i32 to vector<16xi32>
        %add3A_677 = arith.addi %add3A_676, %iota3A : vector<16xi32>
        %lt3A_678 = arith.cmpf olt, %reduce_min3A_615, %cond3A_673#2 : f32
        %convert_element_type3A_679 = arith.extui %lt3A_678 : i1 to i32
        %cond3A_680 = arith.constant 0 : i32
        %cond3A_681 = arith.cmpi ne, %convert_element_type3A_679, %cond3A_680 : i32
        %cond3A_682:3 = scf.if %cond3A_681 -> (vector<16xf32>, vector<16xi32>, f32) {
          %masked_sort3A_692 = arith.constant dense<true> : vector<16xi1>
          %masked_sort3A_693, %masked_sort3A_694, %masked_sort3A_695 = tpu.sort %add3A_545, %add3A_677 masked %masked_sort3A_692 : (vector<16xf32>, vector<16xi32>, vector<16xi1>) -> (vector<16xi1>, vector<16xf32>, vector<16xi32>)
          %rev3A_696 = arith.constant 15 : i32
          %rev3A_697 = vector.broadcast %rev3A_696 : i32 to vector<16xi32>
          %rev3A_698 = tpu.iota {dimensions = array<i32: 0>} : vector<16xi32>
          %rev3A_699 = arith.subi %rev3A_697, %rev3A_698 : vector<16xi32>
          %rev3A_700 = tpu.dynamic_gather %masked_sort3A_694[%rev3A_699] in [0] : vector<16xf32>, vector<16xi32> -> vector<16xf32>
          %rev3A_701 = arith.constant 15 : i32
          %rev3A_702 = vector.broadcast %rev3A_701 : i32 to vector<16xi32>
          %rev3A_703 = tpu.iota {dimensions = array<i32: 0>} : vector<16xi32>
          %rev3A_704 = arith.subi %rev3A_702, %rev3A_703 : vector<16xi32>
          %rev3A_705 = tpu.dynamic_gather %masked_sort3A_695[%rev3A_704] in [0] : vector<16xi32>, vector<16xi32> -> vector<16xi32>
          %le3A_706 = arith.cmpf ole, %cond3A_673#0, %rev3A_700 : vector<16xf32>
          %select_n3A_707 = arith.select %le3A_706, %cond3A_673#0, %rev3A_700 : vector<16xi1>, vector<16xf32>
          %select_n3A_708 = arith.select %le3A_706, %cond3A_673#1, %rev3A_705 : vector<16xi1>, vector<16xi32>
          %masked_sort3A_709 = arith.constant dense<true> : vector<16xi1>
          %masked_sort3A_710, %masked_sort3A_711, %masked_sort3A_712 = tpu.sort %select_n3A_707, %select_n3A_708 masked %masked_sort3A_709 : (vector<16xf32>, vector<16xi32>, vector<16xi1>) -> (vector<16xi1>, vector<16xf32>, vector<16xi32>)
          %reduce_max3A_713 = arith.constant true
          %reduce_max3A_714 = vector.broadcast %reduce_max3A_713 : i1 to vector<16xi1>
          %reduce_max3A_715 = tpu.scan <max>, %masked_sort3A_711 masked %reduce_max3A_714 : vector<16xf32>, vector<16xi1> -> vector<16xf32>
          %reduce_max3A_716 = vector.extract %reduce_max3A_715[15] : f32 from vector<16xf32>
          scf.yield %masked_sort3A_711, %masked_sort3A_712, %reduce_max3A_716 : vector<16xf32>, vector<16xi32>, f32
        } else {
          scf.yield %cond3A_673#0, %cond3A_673#1, %cond3A_673#2 : vector<16xf32>, vector<16xi32>, f32
        }
        %add3A_683 = arith.constant 112 : i32
        %add3A_684 = arith.addi %add3A_575, %add3A_683 : i32
        %add3A_685 = vector.broadcast %add3A_684 : i32 to vector<16xi32>
        %add3A_686 = arith.addi %add3A_685, %iota3A : vector<16xi32>
        %lt3A_687 = arith.cmpf olt, %reduce_min3A_619, %cond3A_682#2 : f32
        %convert_element_type3A_688 = arith.extui %lt3A_687 : i1 to i32
        %cond3A_689 = arith.constant 0 : i32
        %cond3A_690 = arith.cmpi ne, %convert_element_type3A_688, %cond3A_689 : i32
        %cond3A_691:3 = scf.if %cond3A_690 -> (vector<16xf32>, vector<16xi32>, f32) {
          %masked_sort3A_692 = arith.constant dense<true> : vector<16xi1>
          %masked_sort3A_693, %masked_sort3A_694, %masked_sort3A_695 = tpu.sort %add3A_562, %add3A_686 masked %masked_sort3A_692 : (vector<16xf32>, vector<16xi32>, vector<16xi1>) -> (vector<16xi1>, vector<16xf32>, vector<16xi32>)
          %rev3A_696 = arith.constant 15 : i32
          %rev3A_697 = vector.broadcast %rev3A_696 : i32 to vector<16xi32>
          %rev3A_698 = tpu.iota {dimensions = array<i32: 0>} : vector<16xi32>
          %rev3A_699 = arith.subi %rev3A_697, %rev3A_698 : vector<16xi32>
          %rev3A_700 = tpu.dynamic_gather %masked_sort3A_694[%rev3A_699] in [0] : vector<16xf32>, vector<16xi32> -> vector<16xf32>
          %rev3A_701 = arith.constant 15 : i32
          %rev3A_702 = vector.broadcast %rev3A_701 : i32 to vector<16xi32>
          %rev3A_703 = tpu.iota {dimensions = array<i32: 0>} : vector<16xi32>
          %rev3A_704 = arith.subi %rev3A_702, %rev3A_703 : vector<16xi32>
          %rev3A_705 = tpu.dynamic_gather %masked_sort3A_695[%rev3A_704] in [0] : vector<16xi32>, vector<16xi32> -> vector<16xi32>
          %le3A_706 = arith.cmpf ole, %cond3A_682#0, %rev3A_700 : vector<16xf32>
          %select_n3A_707 = arith.select %le3A_706, %cond3A_682#0, %rev3A_700 : vector<16xi1>, vector<16xf32>
          %select_n3A_708 = arith.select %le3A_706, %cond3A_682#1, %rev3A_705 : vector<16xi1>, vector<16xi32>
          %masked_sort3A_709 = arith.constant dense<true> : vector<16xi1>
          %masked_sort3A_710, %masked_sort3A_711, %masked_sort3A_712 = tpu.sort %select_n3A_707, %select_n3A_708 masked %masked_sort3A_709 : (vector<16xf32>, vector<16xi32>, vector<16xi1>) -> (vector<16xi1>, vector<16xf32>, vector<16xi32>)
          %reduce_max3A_713 = arith.constant true
          %reduce_max3A_714 = vector.broadcast %reduce_max3A_713 : i1 to vector<16xi1>
          %reduce_max3A_715 = tpu.scan <max>, %masked_sort3A_711 masked %reduce_max3A_714 : vector<16xf32>, vector<16xi1> -> vector<16xf32>
          %reduce_max3A_716 = vector.extract %reduce_max3A_715[15] : f32 from vector<16xf32>
          scf.yield %masked_sort3A_711, %masked_sort3A_712, %reduce_max3A_716 : vector<16xf32>, vector<16xi32>, f32
        } else {
          scf.yield %cond3A_682#0, %cond3A_682#1, %cond3A_682#2 : vector<16xf32>, vector<16xi32>, f32
        }
        scf.yield %cond3A_691#0, %cond3A_691#1, %cond3A_691#2 : vector<16xf32>, vector<16xi32>, f32
      } else {
        scf.yield %scan3A_422, %scan3A_423, %scan3A_424 : vector<16xf32>, vector<16xi32>, f32
      }
      %add3A_580 = arith.constant 128 : i32
      %add3A_581 = arith.addi %scan3A_426, %add3A_580 : i32
      %ge3A = arith.constant 3200 : i32
      %ge3A_582 = arith.cmpi sge, %add3A_581, %ge3A : i32
      %add3A_583 = arith.constant 1 : i32
      %add3A_584 = arith.addi %scan3A_425, %add3A_583 : i32
      %select_n3A_585 = arith.select %ge3A_582, %add3A_584, %scan3A_425 : i32
      %jit3A_586 = arith.constant 0 : i32
      %select_n3A_587 = arith.select %ge3A_582, %jit3A_586, %add3A_581 : i32
      scf.yield %cond3A_579#0, %cond3A_579#1, %cond3A_579#2, %select_n3A_585, %select_n3A_587 : vector<16xf32>, vector<16xi32>, f32, i32, i32
    }
    %scan3A_415 = arith.constant 200 : i32
    %swap3A = arith.constant 0 : index
    %swap3A_416 = tpu.vector_load %arg11[%swap3A] {strides = array<i32>} : memref<16xf32, #tpu.memory_space<vmem>>, vector<16xf32>,
    tpu.vector_store %arg11[%swap3A], %scan3A_414#0 {strides = array<i32>} : memref<16xf32, #tpu.memory_space<vmem>>, vector<16xf32>,
    %swap3A_417 = arith.constant 0 : index
    %swap3A_418 = tpu.vector_load %arg12[%swap3A_417] {strides = array<i32>} : memref<16xi32, #tpu.memory_space<vmem>>, vector<16xi32>,
    tpu.vector_store %arg12[%swap3A_417], %scan3A_414#1 {strides = array<i32>} : memref<16xi32, #tpu.memory_space<vmem>>, vector<16xi32>,
    "tpu.region"() ({
      %run_scoped3A = tpu.sem_alloc : memref<!tpu.dma_semaphore, #tpu.memory_space<semaphore_mem>>
      %dma_start3A_421 = arith.constant 0 : i32
      %dma_start3A_422 = tpu.memref_slice %arg15[%arg1, %dma_start3A_421] : memref<16x16xf32, #tpu.memory_space<vmem_shared>> -> memref<1x16xf32, #tpu.memory_space<vmem_shared>>
      %dma_start3A_423 = tpu.memref_squeeze %dma_start3A_422 : memref<1x16xf32, #tpu.memory_space<vmem_shared>> -> memref<16xf32, #tpu.memory_space<vmem_shared>>
      %dma_start3A_424 = arith.constant 0 : i32
      %dma_start3A_425 = tpu.memref_slice %arg15[%arg1, %dma_start3A_424] : memref<16x16xf32, #tpu.memory_space<vmem_shared>> -> memref<1x16xf32, #tpu.memory_space<vmem_shared>>
      %dma_start3A_426 = tpu.memref_squeeze %dma_start3A_425 : memref<1x16xf32, #tpu.memory_space<vmem_shared>> -> memref<16xf32, #tpu.memory_space<vmem_shared>>
      tpu.enqueue_dma source(%arg11 : memref<16xf32, #tpu.memory_space<vmem>>) target(%dma_start3A_426 : memref<16xf32, #tpu.memory_space<vmem_shared>>) target_semaphore(%run_scoped3A : memref<!tpu.dma_semaphore, #tpu.memory_space<semaphore_mem>>)
      %dma_wait3A_427 = arith.constant 0 : i32
      %dma_wait3A_428 = tpu.memref_slice %arg15[%arg1, %dma_wait3A_427] : memref<16x16xf32, #tpu.memory_space<vmem_shared>> -> memref<1x16xf32, #tpu.memory_space<vmem_shared>>
      %dma_wait3A_429 = tpu.memref_squeeze %dma_wait3A_428 : memref<1x16xf32, #tpu.memory_space<vmem_shared>> -> memref<16xf32, #tpu.memory_space<vmem_shared>>
      %dma_wait3A_430 = arith.constant 0 : i32
      %dma_wait3A_431 = tpu.memref_slice %arg15[%arg1, %dma_wait3A_430] : memref<16x16xf32, #tpu.memory_space<vmem_shared>> -> memref<1x16xf32, #tpu.memory_space<vmem_shared>>
      %dma_wait3A_432 = tpu.memref_squeeze %dma_wait3A_431 : memref<1x16xf32, #tpu.memory_space<vmem_shared>> -> memref<16xf32, #tpu.memory_space<vmem_shared>>
      tpu.wait_dma2 semaphore(%run_scoped3A : memref<!tpu.dma_semaphore, #tpu.memory_space<semaphore_mem>>) src(%arg11 : memref<16xf32, #tpu.memory_space<vmem>>) dst(%dma_wait3A_432 : memref<16xf32, #tpu.memory_space<vmem_shared>>)
      tpu.yield
    }) : () -> ()
    "tpu.region"() ({
      %run_scoped3A = tpu.sem_alloc : memref<!tpu.dma_semaphore, #tpu.memory_space<semaphore_mem>>
      %dma_start3A_421 = arith.constant 0 : i32
      %dma_start3A_422 = tpu.memref_slice %arg16[%arg1, %dma_start3A_421] : memref<16x16xi32, #tpu.memory_space<vmem_shared>> -> memref<1x16xi32, #tpu.memory_space<vmem_shared>>
      %dma_start3A_423 = tpu.memref_squeeze %dma_start3A_422 : memref<1x16xi32, #tpu.memory_space<vmem_shared>> -> memref<16xi32, #tpu.memory_space<vmem_shared>>
      %dma_start3A_424 = arith.constant 0 : i32
      %dma_start3A_425 = tpu.memref_slice %arg16[%arg1, %dma_start3A_424] : memref<16x16xi32, #tpu.memory_space<vmem_shared>> -> memref<1x16xi32, #tpu.memory_space<vmem_shared>>
      %dma_start3A_426 = tpu.memref_squeeze %dma_start3A_425 : memref<1x16xi32, #tpu.memory_space<vmem_shared>> -> memref<16xi32, #tpu.memory_space<vmem_shared>>
      tpu.enqueue_dma source(%arg12 : memref<16xi32, #tpu.memory_space<vmem>>) target(%dma_start3A_426 : memref<16xi32, #tpu.memory_space<vmem_shared>>) target_semaphore(%run_scoped3A : memref<!tpu.dma_semaphore, #tpu.memory_space<semaphore_mem>>)
      %dma_wait3A_427 = arith.constant 0 : i32
      %dma_wait3A_428 = tpu.memref_slice %arg16[%arg1, %dma_wait3A_427] : memref<16x16xi32, #tpu.memory_space<vmem_shared>> -> memref<1x16xi32, #tpu.memory_space<vmem_shared>>
      %dma_wait3A_429 = tpu.memref_squeeze %dma_wait3A_428 : memref<1x16xi32, #tpu.memory_space<vmem_shared>> -> memref<16xi32, #tpu.memory_space<vmem_shared>>
      %dma_wait3A_430 = arith.constant 0 : i32
      %dma_wait3A_431 = tpu.memref_slice %arg16[%arg1, %dma_wait3A_430] : memref<16x16xi32, #tpu.memory_space<vmem_shared>> -> memref<1x16xi32, #tpu.memory_space<vmem_shared>>
      %dma_wait3A_432 = tpu.memref_squeeze %dma_wait3A_431 : memref<1x16xi32, #tpu.memory_space<vmem_shared>> -> memref<16xi32, #tpu.memory_space<vmem_shared>>
      tpu.wait_dma2 semaphore(%run_scoped3A : memref<!tpu.dma_semaphore, #tpu.memory_space<semaphore_mem>>) src(%arg12 : memref<16xi32, #tpu.memory_space<vmem>>) dst(%dma_wait3A_432 : memref<16xi32, #tpu.memory_space<vmem_shared>>)
      tpu.yield
    }) : () -> ()
    %barrier3A = arith.constant 0 : index
    tpu.barrier barrier_id(%barrier3A)
    %eq3A = arith.constant 0 : i32
    %eq3A_419 = arith.cmpi eq, %select_n3A, %eq3A : i32
    %convert_element_type3A = arith.extui %eq3A_419 : i1 to i32
    %cond3A = arith.constant 0 : i32
    %cond3A_420 = arith.cmpi ne, %convert_element_type3A, %cond3A : i32
    scf.if %cond3A_420 {
      %add3A_421 = arith.constant 8 : i32
      %add3A_422 = arith.addi %arg1, %add3A_421 : i32
      "tpu.region"() ({
        %run_scoped3A = tpu.sem_alloc : memref<!tpu.dma_semaphore, #tpu.memory_space<semaphore_mem>>
        %dma_start3A_454 = arith.constant 0 : i32
        %dma_start3A_455 = tpu.memref_slice %arg15[%add3A_422, %dma_start3A_454] : memref<16x16xf32, #tpu.memory_space<vmem_shared>> -> memref<1x16xf32, #tpu.memory_space<vmem_shared>>
        %dma_start3A_456 = tpu.memref_squeeze %dma_start3A_455 : memref<1x16xf32, #tpu.memory_space<vmem_shared>> -> memref<16xf32, #tpu.memory_space<vmem_shared>>
        %dma_start3A_457 = arith.constant 0 : i32
        %dma_start3A_458 = tpu.memref_slice %arg15[%add3A_422, %dma_start3A_457] : memref<16x16xf32, #tpu.memory_space<vmem_shared>> -> memref<1x16xf32, #tpu.memory_space<vmem_shared>>
        %dma_start3A_459 = tpu.memref_squeeze %dma_start3A_458 : memref<1x16xf32, #tpu.memory_space<vmem_shared>> -> memref<16xf32, #tpu.memory_space<vmem_shared>>
        tpu.enqueue_dma source(%dma_start3A_459 : memref<16xf32, #tpu.memory_space<vmem_shared>>) target(%arg13 : memref<16xf32, #tpu.memory_space<vmem>>) target_semaphore(%run_scoped3A : memref<!tpu.dma_semaphore, #tpu.memory_space<semaphore_mem>>)
        %dma_wait3A_460 = arith.constant 0 : i32
        %dma_wait3A_461 = tpu.memref_slice %arg15[%add3A_422, %dma_wait3A_460] : memref<16x16xf32, #tpu.memory_space<vmem_shared>> -> memref<1x16xf32, #tpu.memory_space<vmem_shared>>
        %dma_wait3A_462 = tpu.memref_squeeze %dma_wait3A_461 : memref<1x16xf32, #tpu.memory_space<vmem_shared>> -> memref<16xf32, #tpu.memory_space<vmem_shared>>
        %dma_wait3A_463 = arith.constant 0 : i32
        %dma_wait3A_464 = tpu.memref_slice %arg15[%add3A_422, %dma_wait3A_463] : memref<16x16xf32, #tpu.memory_space<vmem_shared>> -> memref<1x16xf32, #tpu.memory_space<vmem_shared>>
        %dma_wait3A_465 = tpu.memref_squeeze %dma_wait3A_464 : memref<1x16xf32, #tpu.memory_space<vmem_shared>> -> memref<16xf32, #tpu.memory_space<vmem_shared>>
        tpu.wait_dma2 semaphore(%run_scoped3A : memref<!tpu.dma_semaphore, #tpu.memory_space<semaphore_mem>>) src(%dma_wait3A_465 : memref<16xf32, #tpu.memory_space<vmem_shared>>) dst(%arg13 : memref<16xf32, #tpu.memory_space<vmem>>)
        tpu.yield
      }) : () -> ()
      %add3A_423 = arith.constant 8 : i32
      %add3A_424 = arith.addi %arg1, %add3A_423 : i32
      "tpu.region"() ({
        %run_scoped3A = tpu.sem_alloc : memref<!tpu.dma_semaphore, #tpu.memory_space<semaphore_mem>>
        %dma_start3A_454 = arith.constant 0 : i32
        %dma_start3A_455 = tpu.memref_slice %arg16[%add3A_424, %dma_start3A_454] : memref<16x16xi32, #tpu.memory_space<vmem_shared>> -> memref<1x16xi32, #tpu.memory_space<vmem_shared>>
        %dma_start3A_456 = tpu.memref_squeeze %dma_start3A_455 : memref<1x16xi32, #tpu.memory_space<vmem_shared>> -> memref<16xi32, #tpu.memory_space<vmem_shared>>
        %dma_start3A_457 = arith.constant 0 : i32
        %dma_start3A_458 = tpu.memref_slice %arg16[%add3A_424, %dma_start3A_457] : memref<16x16xi32, #tpu.memory_space<vmem_shared>> -> memref<1x16xi32, #tpu.memory_space<vmem_shared>>
        %dma_start3A_459 = tpu.memref_squeeze %dma_start3A_458 : memref<1x16xi32, #tpu.memory_space<vmem_shared>> -> memref<16xi32, #tpu.memory_space<vmem_shared>>
        tpu.enqueue_dma source(%dma_start3A_459 : memref<16xi32, #tpu.memory_space<vmem_shared>>) target(%arg14 : memref<16xi32, #tpu.memory_space<vmem>>) target_semaphore(%run_scoped3A : memref<!tpu.dma_semaphore, #tpu.memory_space<semaphore_mem>>)
        %dma_wait3A_460 = arith.constant 0 : i32
        %dma_wait3A_461 = tpu.memref_slice %arg16[%add3A_424, %dma_wait3A_460] : memref<16x16xi32, #tpu.memory_space<vmem_shared>> -> memref<1x16xi32, #tpu.memory_space<vmem_shared>>
        %dma_wait3A_462 = tpu.memref_squeeze %dma_wait3A_461 : memref<1x16xi32, #tpu.memory_space<vmem_shared>> -> memref<16xi32, #tpu.memory_space<vmem_shared>>
        %dma_wait3A_463 = arith.constant 0 : i32
        %dma_wait3A_464 = tpu.memref_slice %arg16[%add3A_424, %dma_wait3A_463] : memref<16x16xi32, #tpu.memory_space<vmem_shared>> -> memref<1x16xi32, #tpu.memory_space<vmem_shared>>
        %dma_wait3A_465 = tpu.memref_squeeze %dma_wait3A_464 : memref<1x16xi32, #tpu.memory_space<vmem_shared>> -> memref<16xi32, #tpu.memory_space<vmem_shared>>
        tpu.wait_dma2 semaphore(%run_scoped3A : memref<!tpu.dma_semaphore, #tpu.memory_space<semaphore_mem>>) src(%dma_wait3A_465 : memref<16xi32, #tpu.memory_space<vmem_shared>>) dst(%arg14 : memref<16xi32, #tpu.memory_space<vmem>>)
        tpu.yield
      }) : () -> ()
      %get3A_425 = arith.constant 0 : index
      %get3A_426 = tpu.vector_load %arg13[%get3A_425] {strides = array<i32>} : memref<16xf32, #tpu.memory_space<vmem>>, vector<16xf32>,
      %get3A_427 = arith.constant 0 : index
      %get3A_428 = tpu.vector_load %arg14[%get3A_427] {strides = array<i32>} : memref<16xi32, #tpu.memory_space<vmem>>, vector<16xi32>,
      %masked_sort3A_429 = arith.constant dense<true> : vector<16xi1>
      %masked_sort3A_430, %masked_sort3A_431, %masked_sort3A_432 = tpu.sort %get3A_426, %get3A_428 masked %masked_sort3A_429 : (vector<16xf32>, vector<16xi32>, vector<16xi1>) -> (vector<16xi1>, vector<16xf32>, vector<16xi32>)
      %rev3A_433 = arith.constant 15 : i32
      %rev3A_434 = vector.broadcast %rev3A_433 : i32 to vector<16xi32>
      %rev3A_435 = tpu.iota {dimensions = array<i32: 0>} : vector<16xi32>
      %rev3A_436 = arith.subi %rev3A_434, %rev3A_435 : vector<16xi32>
      %rev3A_437 = tpu.dynamic_gather %masked_sort3A_431[%rev3A_436] in [0] : vector<16xf32>, vector<16xi32> -> vector<16xf32>
      %rev3A_438 = arith.constant 15 : i32
      %rev3A_439 = vector.broadcast %rev3A_438 : i32 to vector<16xi32>
      %rev3A_440 = tpu.iota {dimensions = array<i32: 0>} : vector<16xi32>
      %rev3A_441 = arith.subi %rev3A_439, %rev3A_440 : vector<16xi32>
      %rev3A_442 = tpu.dynamic_gather %masked_sort3A_432[%rev3A_441] in [0] : vector<16xi32>, vector<16xi32> -> vector<16xi32>
      %le3A_443 = arith.cmpf ole, %scan3A_414#0, %rev3A_437 : vector<16xf32>
      %select_n3A_444 = arith.select %le3A_443, %scan3A_414#0, %rev3A_437 : vector<16xi1>, vector<16xf32>
      %select_n3A_445 = arith.select %le3A_443, %scan3A_414#1, %rev3A_442 : vector<16xi1>, vector<16xi32>
      %masked_sort3A_446 = arith.constant dense<true> : vector<16xi1>
      %masked_sort3A_447, %masked_sort3A_448, %masked_sort3A_449 = tpu.sort %select_n3A_444, %select_n3A_445 masked %masked_sort3A_446 : (vector<16xf32>, vector<16xi32>, vector<16xi1>) -> (vector<16xi1>, vector<16xf32>, vector<16xi32>)
      %swap3A_450 = arith.constant 0 : index
      %swap3A_451 = tpu.vector_load %arg12[%swap3A_450] {strides = array<i32>} : memref<16xi32, #tpu.memory_space<vmem>>, vector<16xi32>,
      tpu.vector_store %arg12[%swap3A_450], %masked_sort3A_449 {strides = array<i32>} : memref<16xi32, #tpu.memory_space<vmem>>, vector<16xi32>,
      %mul3A_452 = arith.constant 16 : i32
      %mul3A_453 = arith.muli %add3A, %mul3A_452 : i32
      "tpu.region"() ({
        %run_scoped3A = tpu.sem_alloc : memref<!tpu.dma_semaphore, #tpu.memory_space<semaphore_mem>>
        %dma_start3A_454 = tpu.memref_slice %arg5[%mul3A_453] : memref<256xi32, #tpu.memory_space<hbm>> -> memref<16xi32, #tpu.memory_space<hbm>>
        %dma_start3A_455 = tpu.memref_slice %arg5[%mul3A_453] : memref<256xi32, #tpu.memory_space<hbm>> -> memref<16xi32, #tpu.memory_space<hbm>>
        tpu.enqueue_dma source(%arg12 : memref<16xi32, #tpu.memory_space<vmem>>) target(%dma_start3A_455 : memref<16xi32, #tpu.memory_space<hbm>>) target_semaphore(%run_scoped3A : memref<!tpu.dma_semaphore, #tpu.memory_space<semaphore_mem>>)
        %dma_wait3A_456 = tpu.memref_slice %arg5[%mul3A_453] : memref<256xi32, #tpu.memory_space<hbm>> -> memref<16xi32, #tpu.memory_space<hbm>>
        %dma_wait3A_457 = tpu.memref_slice %arg5[%mul3A_453] : memref<256xi32, #tpu.memory_space<hbm>> -> memref<16xi32, #tpu.memory_space<hbm>>
        tpu.wait_dma2 semaphore(%run_scoped3A : memref<!tpu.dma_semaphore, #tpu.memory_space<semaphore_mem>>) src(%arg12 : memref<16xi32, #tpu.memory_space<vmem>>) dst(%dma_wait3A_457 : memref<16xi32, #tpu.memory_space<hbm>>)
        tpu.yield
      }) : () -> ()
    } else {
    }
    return
  }
}

module attributes {stable_mosaic.version = 14 : i64} {
  func.func @_mlp_kernel(%arg0: memref<1x2xf32, #tpu.memory_space<vmem>>, %arg1: memref<16x16x2xf32, #tpu.memory_space<vmem>>, %arg2: memref<16x16x8xf32, #tpu.memory_space<vmem>>, %arg3: memref<12x128xf32, #tpu.memory_space<vmem>>, %arg4: memref<1x128xf32, #tpu.memory_space<vmem>>, %arg5: memref<128x128xf32, #tpu.memory_space<vmem>>, %arg6: memref<1x128xf32, #tpu.memory_space<vmem>>, %arg7: memref<128x64xf32, #tpu.memory_space<vmem>>, %arg8: memref<1x64xf32, #tpu.memory_space<vmem>>, %arg9: memref<16x64xf32, #tpu.memory_space<vmem>>) attributes {dimension_semantics = [], scalar_prefetch = 0 : i64, scratch_operands = 0 : i64, tpu.core_type = #tpu.core_type<tc>} {
    %get3A = arith.constant 0 : index
    %get3A_0 = arith.constant 0 : index
    %get3A_1 = arith.constant 0 : index
    %get3A_2 = vector.load %arg1[%get3A, %get3A_0, %get3A_1] : memref<16x16x2xf32, #tpu.memory_space<vmem>>, vector<16x16x2xf32>
    %reduce_sum3A = arith.constant dense<0.000000e+00> : vector<16x2xf32>
    %reduce_sum3A_3 = vector.multi_reduction <add>, %get3A_2, %reduce_sum3A [1] : vector<16x16x2xf32> to vector<16x2xf32>
    %mul3A = arith.constant 6.250000e-02 : f32
    %mul3A_4 = vector.broadcast %mul3A : f32 to vector<16x2xf32>
    %mul3A_5 = arith.mulf %reduce_sum3A_3, %mul3A_4 : vector<16x2xf32>
    %get3A_6 = arith.constant 0 : index
    %get3A_7 = arith.constant 0 : index
    %get3A_8 = arith.constant 0 : index
    %get3A_9 = vector.load %arg2[%get3A_6, %get3A_7, %get3A_8] : memref<16x16x8xf32, #tpu.memory_space<vmem>>, vector<16x16x8xf32>
    %reduce_sum3A_10 = arith.constant dense<0.000000e+00> : vector<16x8xf32>
    %reduce_sum3A_11 = vector.multi_reduction <add>, %get3A_9, %reduce_sum3A_10 [1] : vector<16x16x8xf32> to vector<16x8xf32>
    %mul3A_12 = arith.constant 6.250000e-02 : f32
    %mul3A_13 = vector.broadcast %mul3A_12 : f32 to vector<16x8xf32>
    %mul3A_14 = arith.mulf %reduce_sum3A_11, %mul3A_13 : vector<16x8xf32>
    %get3A_15 = arith.constant 0 : index
    %get3A_16 = arith.constant 0 : index
    %get3A_17 = vector.load %arg0[%get3A_15, %get3A_16] : memref<1x2xf32, #tpu.memory_space<vmem>>, vector<1x2xf32>
    %broadcast_in_dim3A = vector.shape_cast %get3A_17 : vector<1x2xf32> to vector<1x2xf32>
    %broadcast_in_dim3A_18 = vector.broadcast %broadcast_in_dim3A : vector<1x2xf32> to vector<16x2xf32>
    %concatenate3A = tpu.concatenate %broadcast_in_dim3A_18, %mul3A_5, %mul3A_14 in 1 : vector<16x2xf32>, vector<16x2xf32>, vector<16x8xf32> -> vector<16x12xf32>
    %get3A_19 = arith.constant 0 : index
    %get3A_20 = arith.constant 0 : index
    %get3A_21 = vector.load %arg3[%get3A_19, %get3A_20] : memref<12x128xf32, #tpu.memory_space<vmem>>, vector<12x128xf32>
    %dot_general3A = arith.constant dense<0.000000e+00> : vector<16x128xf32>
    %dot_general3A_22 = tpu.matmul %concatenate3A, %get3A_21, %dot_general3A {dimension_numbers = #tpu.dot_dimension_numbers<[1], [0], [0], [1], [0, 0, 1, 1], [], []>, transpose_lhs_hint = false} : vector<16x12xf32>, vector<12x128xf32>, vector<16x128xf32> -> vector<16x128xf32>
    %get3A_23 = arith.constant 0 : index
    %get3A_24 = arith.constant 0 : index
    %get3A_25 = vector.load %arg4[%get3A_23, %get3A_24] : memref<1x128xf32, #tpu.memory_space<vmem>>, vector<1x128xf32>
    %add3A = vector.broadcast %get3A_25 : vector<1x128xf32> to vector<16x128xf32>
    %add3A_26 = arith.addf %dot_general3A_22, %add3A : vector<16x128xf32>
    %max3A = arith.constant 0.000000e+00 : f32
    %max3A_27 = vector.broadcast %max3A : f32 to vector<16x128xf32>
    %max3A_28 = arith.maximumf %add3A_26, %max3A_27 : vector<16x128xf32>
    %get3A_29 = arith.constant 0 : index
    %get3A_30 = arith.constant 0 : index
    %get3A_31 = vector.load %arg5[%get3A_29, %get3A_30] : memref<128x128xf32, #tpu.memory_space<vmem>>, vector<128x128xf32>
    %dot_general3A_32 = arith.constant dense<0.000000e+00> : vector<16x128xf32>
    %dot_general3A_33 = tpu.matmul %max3A_28, %get3A_31, %dot_general3A_32 {dimension_numbers = #tpu.dot_dimension_numbers<[1], [0], [0], [1], [0, 0, 1, 1], [], []>, transpose_lhs_hint = false} : vector<16x128xf32>, vector<128x128xf32>, vector<16x128xf32> -> vector<16x128xf32>
    %get3A_34 = arith.constant 0 : index
    %get3A_35 = arith.constant 0 : index
    %get3A_36 = vector.load %arg6[%get3A_34, %get3A_35] : memref<1x128xf32, #tpu.memory_space<vmem>>, vector<1x128xf32>
    %add3A_37 = vector.broadcast %get3A_36 : vector<1x128xf32> to vector<16x128xf32>
    %add3A_38 = arith.addf %dot_general3A_33, %add3A_37 : vector<16x128xf32>
    %max3A_39 = arith.constant 0.000000e+00 : f32
    %max3A_40 = vector.broadcast %max3A_39 : f32 to vector<16x128xf32>
    %max3A_41 = arith.maximumf %add3A_38, %max3A_40 : vector<16x128xf32>
    %get3A_42 = arith.constant 0 : index
    %get3A_43 = arith.constant 0 : index
    %get3A_44 = vector.load %arg7[%get3A_42, %get3A_43] : memref<128x64xf32, #tpu.memory_space<vmem>>, vector<128x64xf32>
    %dot_general3A_45 = arith.constant dense<0.000000e+00> : vector<16x64xf32>
    %dot_general3A_46 = tpu.matmul %max3A_41, %get3A_44, %dot_general3A_45 {dimension_numbers = #tpu.dot_dimension_numbers<[1], [0], [0], [1], [0, 0, 1, 1], [], []>, transpose_lhs_hint = false} : vector<16x128xf32>, vector<128x64xf32>, vector<16x64xf32> -> vector<16x64xf32>
    %get3A_47 = arith.constant 0 : index
    %get3A_48 = arith.constant 0 : index
    %get3A_49 = vector.load %arg8[%get3A_47, %get3A_48] : memref<1x64xf32, #tpu.memory_space<vmem>>, vector<1x64xf32>
    %add3A_50 = vector.broadcast %get3A_49 : vector<1x64xf32> to vector<16x64xf32>
    %add3A_51 = arith.addf %dot_general3A_46, %add3A_50 : vector<16x64xf32>
    %swap3A = arith.constant 0 : index
    %swap3A_52 = arith.constant 0 : index
    %swap3A_53 = vector.load %arg9[%swap3A, %swap3A_52] : memref<16x64xf32, #tpu.memory_space<vmem>>, vector<16x64xf32>
    tpu.vector_store %arg9[%swap3A, %swap3A_52], %add3A_51 {strides = array<i32>} : memref<16x64xf32, #tpu.memory_space<vmem>>, vector<16x64xf32>,
    return
  }
}

</mosaic_0001>

<sc_bundles>
// kernel: kernel.4.cloned.1.call-start
scs
__scs_entry_jumppad:
0x0: {  	(pc) =	sbr.rel $0x88, $3  }
0x1: {  	(tag) =	ssettag $0x0;
	lr =	simm.s32 $0x1  }
0x2: {  	[smem:$0x3F98] =	sst lr;
	_ =	strace $0xD0000000  }
0x3: {  	_ = 	snop  }
0x4: {  	_ = 	snop  }
0x5: {  	_ = 	snop  }
0x6: {  	_ = 	snop  }
0x7: {  	_ = 	snop  }
__scs_overlays_trampoline_lowered:
0x8: {  	[smem:$0x3FA7] =	sst s0  }
0x9: {  	[smem:$0x3FA8] =	sst s1  }
0xa: {  	[smem:$0x3FA9] =	sst s2  }
0xb: {  	[smem:$0x3FAA] =	sst s3  }
0xc: {  	[smem:$0x3FAB] =	sst s4  }
0xd: {  	[smem:$0x3FAC] =	sst s5  }
0xe: {  	[smem:$0x3FAD] =	sst s6  }
0xf: {  	[smem:$0x3FAE] =	sst s7  }
0x10: {  	[smem:$0x3FAF] =	sst s8  }
0x11: {  	[smem:$0x3FB0] =	sst s9;
	s0 =	simm.s32 @!p0 $0x0  }
0x12: {  	s1 =	sld [smem:$0x3F96];
	s0 =	simm.s32 @p0 $0x1  }
0x13: {  	[smem:$0x3FB1] =	sst s0;
	s0 =	simm.s32 @!p1 $0x0  }
0x14: {  	s2 =	sld [smem:$0x3F95];
	s0 =	simm.s32 @p1 $0x1  }
0x15: {  	[smem:$0x3FB2] =	sst s0;
	s0 =	simm.s32 @!p2 $0x0  }
0x16: {  	s3 =	sld [smem:$0x3FDB];
	s0 =	simm.s32 @p2 $0x1  }
0x17: {  	s4 =	simm.s32 $0x1BF5;
	[smem:$0x3FB4] =	sst s0  }
0x18: {  	s0 =	sld [smem:$0x3F97];
	_ =	swait.ge [sflag:s4], $0x0  }
0x19: {  	s7 =	sld [smem:$0x3F98]  }
0x1a: {  	s8 =	sadd.s32 $0xFFFFE003, lr  }
0x1b: {  	s9 =	sadd.s32 $0xFFFFFEF7, lr;
	s5 =	simm.s32 $0xFFFFFFFF;
	p2 =	slt.u32 s8, $0xFFFFF086  }
0x1c: {  	p1 =	slt.u32 s9, $0xF7A;
	s5 =	simm.s32 @!p2 $0x0  }
0x1d: {  	s5 =	simm.s32 @p1 $0x1;
	p0 =	seq.s32 s7, s2  }
0x1e: {  	s7 =	smul.u32 @!p0 $0xF7A, s2;
	p2 =	seq.s32 @!p0 s5, $0x0  }
0x1f: {  	s9 =	smul.u32 $0xF7A, s1;
	s8 =	simm.s32 @!p0 $0x1BF5;
	p2 =	por !p2, p0  }
0x20: {  	[sflag:s8] =	ssyncset.s32 @!p0 $0xFFFFF086;
	s6 =	sadd.s32 @!p0 s3, s7;
	s7 =	simm.s32 @!p0 $0x108  }
0x21: {  	s3 =	sadd.s32 s3, s9;
	s6 =	sadd.s32 @!p0 $0x88, s6;
	s7 =	simm.s32 @p2 $0x1082  }
0x22: {  	[simem:s7], [sflag:s8] =	dma.local @!p0 [hbm:s6], $0xF7A  }
0x23: {  	s9 =	sor.u32 $0xD0000000, s2;
	s6 =	simm.s32 $0x108;
	_ =	swait.ge @!p0 [sflag:s8], $0x0  }
0x24: {  	s3 =	sadd.s32 $0x88, s3;
	s6 =	simm.s32 @!p1 $0x1082;
	[sflag:s4] =	ssyncset.s32 $0xFFFFF086  }
0x25: {  	[simem:s6], [sflag:s4] =	dma.local [hbm:s3], $0xF7A  }
0x26: {  	[smem:$0x3F98] =	sst s1;
	(tag) =	ssettag s2;
	_ =	strace s9  }
0x27: {  	s1 =	sld [smem:$0x3FA8]  }
0x28: {  	s2 =	sld [smem:$0x3FA9]  }
0x29: {  	s4 =	sld [smem:$0x3FAB]  }
0x2a: {  	p0 =	seq.s32 s5, $0x0;
	s5 =	sld [smem:$0x3FAC]  }
0x2b: {  	s6 =	sld [smem:$0x3FAD]  }
0x2c: {  	s7 =	sld [smem:$0x3FAE]  }
0x2d: {  	s3 =	simm.s32 $0x108;
	s8 =	sld [smem:$0x3FAF]  }
0x2e: {  	s3 =	simm.s32 @!p0 $0x1082;
	s9 =	sld [smem:$0x3FB0]  }
0x2f: {  	lr =	sadd.s32 s0, s3;
	s0 =	sld [smem:$0x3FA7]  }
0x30: {  	s3 =	sld [smem:$0x3FAA]  }
0x31: {  	[smem:$0x3FB3] =	sst s10  }
0x32: {  	s10 =	sld [smem:$0x3FB1];
	_ =	sdelay $0x3  }
0x33: {  	p0 =	seq.s32 s10, $0x1;
	s10 =	sld [smem:$0x3FB3];
	_ =	sdelay $0x3  }
0x34: {  	[smem:$0x3FB3] =	sst s10  }
0x35: {  	s10 =	sld [smem:$0x3FB2];
	_ =	sdelay $0x3  }
0x36: {  	p1 =	seq.s32 s10, $0x1;
	s10 =	sld [smem:$0x3FB3];
	_ =	sdelay $0x3  }
0x37: {  	[smem:$0x3FB3] =	sst s10  }
0x38: {  	s10 =	sld [smem:$0x3FB4]  }
0x39: {  	_ = 	snop;
	(pc) =	sbr.ind lr, $3  }
0x3a: {  	_ = 	snop  }
0x3b: {  	_ = 	snop  }
0x3c: {  	p2 =	seq.s32 s10, $0x1;
	s10 =	sld [smem:$0x3FB3]  }
0x3d: {  	_ =	shalt  }
0x3e: {  	_ =	shalt  }
0x3f: {  	_ =	shalt  }
0x40: {  	_ =	shalt  }
0x41: {  	_ =	shalt  }
0x42: {  	_ =	shalt  }
0x43: {  	_ =	shalt  }
0x44: {  	_ =	shalt  }
0x45: {  	_ =	shalt  }
0x46: {  	_ =	shalt  }
0x47: {  	_ =	shalt  }
0x48: {  	_ =	shalt  }
0x49: {  	_ =	shalt  }
0x4a: {  	_ =	shalt  }
0x4b: {  	_ =	shalt  }
0x4c: {  	_ =	shalt  }
0x4d: {  	_ =	shalt  }
0x4e: {  	_ =	shalt  }
0x4f: {  	_ =	shalt  }
0x50: {  	_ =	shalt  }
0x51: {  	_ =	shalt  }
0x52: {  	_ =	shalt  }
0x53: {  	_ =	shalt  }
0x54: {  	_ =	shalt  }
0x55: {  	_ =	shalt  }
0x56: {  	_ =	shalt  }
0x57: {  	_ =	shalt  }
0x58: {  	_ =	shalt  }
0x59: {  	_ =	shalt  }
0x5a: {  	_ =	shalt  }
0x5b: {  	_ =	shalt  }
0x5c: {  	_ =	shalt  }
0x5d: {  	_ =	shalt  }
0x5e: {  	_ =	shalt  }
0x5f: {  	_ =	shalt  }
0x60: {  	_ =	shalt  }
0x61: {  	_ =	shalt  }
0x62: {  	_ =	shalt  }
0x63: {  	_ =	shalt  }
0x64: {  	_ =	shalt  }
0x65: {  	_ =	shalt  }
0x66: {  	_ =	shalt  }
0x67: {  	_ =	shalt  }
0x68: {  	_ =	shalt  }
0x69: {  	_ =	shalt  }
0x6a: {  	_ =	shalt  }
0x6b: {  	_ =	shalt  }
0x6c: {  	_ =	shalt  }
0x6d: {  	_ =	shalt  }
0x6e: {  	_ =	shalt  }
0x6f: {  	_ =	shalt  }
0x70: {  	_ =	shalt  }
0x71: {  	_ =	shalt  }
0x72: {  	_ =	shalt  }
0x73: {  	_ =	shalt  }
0x74: {  	_ =	shalt  }
0x75: {  	_ =	shalt  }
0x76: {  	_ =	shalt  }
0x77: {  	_ =	shalt  }
0x78: {  	_ =	shalt  }
0x79: {  	_ =	shalt  }
0x7a: {  	_ =	shalt  }
0x7b: {  	_ =	shalt  }
0x7c: {  	_ =	shalt  }
0x7d: {  	_ =	shalt  }
0x7e: {  	_ =	shalt  }
0x7f: {  	_ =	shalt  }
0x80: {  	_ =	shalt  }
0x81: {  	_ =	shalt  }
0x82: {  	_ =	shalt  }
0x83: {  	_ =	shalt  }
0x84: {  	_ =	shalt  }
0x85: {  	_ =	shalt  }
0x86: {  	_ =	shalt  }
0x87: {  	_ =	shalt  }
.Lfunc_end0:
.L_simem_size_0:
called_computation_lowered:
.L_overlay_start_0:
0x88: {  	s2 =	sld [smem:$0x3FD9]  }
0x89: {  	s3 =	sld [smem:$0x3FFE];
	_ =	sdelay $0x1  }
0x8a: {  	s1 =	srdreg.scid  }
0x8b: {  	s0 =	sand.u32 $0x1, s1  }
0x8c: {  	s17 =	sshll.u32 s0, $0xA;
	s2 =	sadd.s32 s3, s2  }
0x8d: {  	s2 =	sadd.s32 s2, s17  }
0x8e: {  	[smem:$0x3FBF] =	sst s2  }
0x8f: {  	_ = 	snop  }
0x90: {  	s2 =	sld [smem:$0x3FC9]  }
0x91: {  	s18 =	sld [smem:$0x3FD0];
	(tm) =	ssettm $0x1  }
0x92: {  	s4 =	sld [smem:$0x3FFB];
	_ =	sdelay $0x3  }
0x93: {  	_ =	strace s4  }
0x94: {  	s4 =	sld [smem:$0x3FFC];
	_ =	sdelay $0x3  }
0x95: {  	_ =	strace s4  }
0x96: {  	s4 =	sld [smem:$0x3FFD];
	_ =	sdelay $0x3  }
0x97: {  	_ =	strace s4  }
0x98: {  	_ =	strace $0x8FFFFFFF  }
0x99: {  	s19 =	sld [smem:$0x3FDB];
	_ =	sdelay $0x1  }
0x9a: {  	s5 =	simm.s32 $_scs_section_size  }
0x9b: {  	s6 =	simm.s32 $_size__tile_overlayer_lowered;
	s7 =	simm.s32 $_tile_overlayer_lowered  }
0x9c: {  	s22 =	simm.s32 $0x1BFF;
	s21 =	sshll.u32 s7, $0x1;
	s4 =	sadd.s32 s5, s19  }
0x9d: {  	s8 =	simm.s32 $0x0;
	s20 =	sshll.u32 s6, $0x1;
	s6 =	sadd.s32 s21, s4  }
0x9e: {  	[timem:s8], [sflag:s22] =	dma.local [hbm:s6], s20  }
0x9f: {  	_ =	swait.ge [sflag:s22], s20  }
0xa0: {  	s5 =	ssub.s32 $0x0, s20;
	[sflag:s22] =	ssyncset.done $0x0  }
0xa1: {  	[sflag:s22] =	ssyncadd.s32 s5;
	_ =	sdelay $0x1  }
0xa2: {  	s23 =	simm.s32 $0x1B8B  }
0xa3: {  	_ =	swait.ge [sflag:s23], $0x1  }
0xa4: {  	[sflag:s23] =	ssyncset.done $0x0  }
0xa5: {  	s25 =	simm.s32 $0x1B8E;
	s24 =	sld [smem:$0x3FFE];
	[sflag:s23] =	ssyncadd.s32 $0xFFFFFFFF  }
0xa6: {  	s26 =	simm.s32 $execute0_lowered;
	[smem:$0x3FD2] =	sst s25  }
0xa7: {  	s6 =	sshll.u32 s26, $0x1;
	_ =	strace $0x80000046;
	[dreg:$0x1] =	wrdreg $0xFFFFFFFF  }
0xa8: {  	s28 =	simm.s32 $_size_execute0_lowered;
	s4 =	sadd.s32 s4, s6;
	[dreg:$0x0] =	wrdreg $0x0  }
0xa9: {  	s6 =	sshll.u32 s28, $0x1;
	[dreg:$0x2] =	wrdreg s4  }
0xaa: {  	[dreg:$0x3] =	wrdreg s6  }
0xab: {  	[dreg:$0x4] =	wrdreg $0xC0  }
0xac: {  	_ =	task [dreg:s8], $0x5FFFF  }
0xad: {  	[dreg:$0x1] =	wrdreg $0xFFFFFFFF  }
0xae: {  	[dreg:$0x0] =	wrdreg $0x60  }
0xaf: {  	[dreg:$0x2] =	wrdreg s2  }
0xb0: {  	[dreg:$0x3] =	wrdreg s24  }
0xb1: {  	[dreg:$0x4] =	wrdreg s18  }
0xb2: {  	[dreg:$0x5] =	wrdreg $0x192800  }
0xb3: {  	[dreg:$0x6] =	wrdreg $0x192900  }
0xb4: {  	[dreg:$0x7] =	wrdreg $0x9  }
0xb5: {  	_ =	task.clear_ibuf [dreg:s8], $0x8FFFF;
	_ =	strace $0x90000046  }
0xb6: {  	s29 =	simm.s32 $0x9;
	_ =	strace $0x80000048  }
0xb7: {  	_ =	swait.ge [sflag:s29], $0x1  }
0xb8: {  	[sflag:s29] =	ssyncadd.s32 $0xFFFFFFFF  }
0xb9: {  	_ =	strace $0x90000048  }
0xba: {  	_ =	sfence  }
0xbb: {  	s30 =	sld [smem:$0x0];
	_ =	sdelay $0x2  }
0xbc: {  	s31 =	sshll.u32 s1, $0xD;
	s1 =	sshrl.u32 s1, $0x2  }
0xbd: {  	s3 =	sand.u32 $0x4000, s31;
	s1 =	sadd.s32 s1, s30  }
0xbe: {  	s0 =	sor.u32 s3, s0;
	s1 =	sshll.u32 s1, $0x11  }
0xbf: {  	s0 =	sor.u32 s1, s0  }
0xc0: {  	s0 =	sadd.s32 $0x8F2B, s0  }
0xc1: {  	[sflag:s0] =	ssyncadd.remote.s32 $0x1  }
0xc2: {  	_ =	sfence.sel $0xFFFF  }
0xc3: {  	[dreg:$0x0] =	wrdreg $0xFFFFFFFF;
	(pc) =	sbr.abs _section_cstart, $3  }
0xc4: {  	[dreg:$0x1] =	wrdreg $0xFFFFFFFF  }
0xc5: {  	_ =	task.clear_ibuf [dreg:s8], $0x2FFFF;
	_ =	strace $0x9FFFFFFF  }
0xc6: {  	(tm) =	ssettm $0x7FFFFFFF  }
0xc7: {  	_ =	shalt  }
tec
execute0_lowered:
.L_overlay_start_1:
0x0: {  	(tag) =	ssettag $0x1  }
0x1: {  	s0 =	rddreg [dreg:$0x1]  }
0x2: {  	s1 =	rddreg [dreg:$0x2]  }
0x3: {  	s2 =	rddreg [dreg:$0x3]  }
0x4: {  	s13 =	rddreg [dreg:$0x4];
	s3 =	srdreg.scid  }
0x5: {  	s11 =	stileid.u32;
	s19 =	simm.s32 $0x1;
	s28 =	simm.s32 $0x0  }
0x6: {  	s5 =	sand.u32 $0x1, s3;
	s6 =	sand.u32 $0x7, s11;
	s16 =	sshrl.u32 s11, $0x3  }
0x7: {  	s3 =	simm.s32 $0x0;
	s8 =	sadd.s32 $0x33A00, s0;
	s0 =	sadd.s32 $0x1A00, s0  }
0x8: {  	s12 =	sshll.u32 s11, $0x7;
	s4 =	sshll.u32 s5, $0x3;
	[smem:$0x7FF] =	sst s3  }
0x9: {  	s7 =	ssub.s32 $0x2, s5;
	s24 =	smul.u32 $0xC800, s16;
	s11 =	sadd.s32 s12, s13  }
0xa: {  	s17 =	sor.u32 $0x400, s12;
	p0 =	sne.s32 s16, $0x0;
	s14 =	sor.u32 s6, s4  }
0xb: {  	s4 =	smul.u32 $0x1900, s16;
	_ =	strace $0x80000047;
	s9 =	sshrl.u32 s7, $0x1  }
0xc: {  	s13 =	sadd.s32 s17, s13;
	s6 =	smul.u32 $0x19000, s14;
	s15 =	ssub.s32 s7, s9  }
0xd: {  	s31 =	sshll.u32 s14, $0x1;
	s5 =	sadd.s32 $0xC80, s4;
	s30 =	sor.u32 $0x10, s4  }
0xe: {  	s18 =	sor.u32 $0x20, s4;
	s20 =	sor.u32 $0x30, s4;
	s21 =	sor.u32 $0x40, s4  }
0xf: {  	s23 =	sor.u32 $0x50, s4;
	s14 =	sadd.s32 s1, s31;
	s15 =	smax.u32 s15, $0x1  }
0x10: {  	v7 =	vlaneseq.u32;
	s10 =	sadd.s32 s24, s6;
	s6 =	sshrl.u32 s6, $0x3;
	s24 =	sor.u32 $0x60, s4  }
.Ltmp0:
0x11: {  	v2 =	vor.u32 s20, v7;
	s20 =	simm.s32 $0x3;
	v4 =	vor.u32 s23, v7;
	s23 =	simm.s32 $0x2;
	(pc) =	sbr.rel .LBB2_1-.Ltmp0, $4  }
0x12: {  	v8 =	vmul.u32 $0xFFFFFFFF, v7;
	s25 =	sshrl.u32 s10, $0x3;
	s26 =	sadd.s32 s5, s6;
	s10 =	sadd.s32 s12, s2  }
0x13: {  	s12 =	sadd.s32 s17, s2;
	s17 =	simm.s32 $0x5;
	v5 =	vor.u32 s24, v7;
	s24 =	simm.s32 $0x4  }
0x14: {  	v8 =	vadd.s32 $0xF, v8;
	v6 =	vor.u32 s4, v7;
	v0 =	vor.u32 s30, v7;
	s29 =	sadd.s32 s8, s25;
	s7 =	sadd.s32 s0, s25;
	s25 =	sor.u32 $0x70, s4  }
0x15: {  	v1 =	vor.u32 s18, v7;
	v3 =	vor.u32 s21, v7;
	s8 =	sadd.s32 s8, s26;
	s9 =	sadd.s32 s0, s26;
	[dreg:$0x6] =	wrdreg s29;
	v7 =	vor.u32 s25, v7  }
.LBB2_9:
0x16: {  	[tilespmem:$0x19080] =	vst v12  }
0x17: {  	[tilespmem:$0x19100] =	vst v11;
	s0 =	simm.s32 $0x19080  }
0x18: {  	[spmem:s10] =	stream.linear.scatter [tilespmem:s0], [sflag:$0x5], $0x80, $0x38;
	[tilespmem:$0x192A0] =	vst v63  }
0x19: {  	_ =	swait.ge [sflag:s17], $0x80  }
0x1a: {  	[sflag:s17] =	ssyncset.done $0x0  }
0x1b: {  	s31 =	simm.s32 $0x19100;
	[sflag:s17] =	ssyncadd.s32 $0xFFFFFF80  }
0x1c: {  	[spmem:s11] =	stream.linear.scatter [tilespmem:s31], [sflag:$0x5], $0x80, $0x38;
	[tilespmem:$0x192A0] =	vst v63  }
0x1d: {  	_ =	swait.ge [sflag:s17], $0x80  }
0x1e: {  	[sflag:s17] =	ssyncset.done $0x0  }
0x1f: {  	[sflag:s17] =	ssyncadd.s32 $0xFFFFFF80  }
0x20: {  	s0 =	simm.s32 @!p0 $0x19180;
	[bflag:$0x0] =	sbarrier.arrive $0xFFFF  }
0x21: {  	[tilespmem:s0], [sflag:$0x5] =	stream.linear.gather @!p0 [spmem:s12], $0x80, $0x38;
	[tilespmem:$0x192A0] =	vst v63  }
0x22: {  	s0 =	simm.s32 @!p0 $0x5  }
0x23: {  	_ =	swait.ge @!p0 [sflag:s0], $0x80  }
0x24: {  	[sflag:s0] =	ssyncset.done @!p0 $0x0  }
0x25: {  	s1 =	simm.s32 @!p0 $0x19200;
	[sflag:s0] =	ssyncadd.s32 @!p0 $0xFFFFFF80  }
0x26: {  	[tilespmem:s1], [sflag:$0x5] =	stream.linear.gather @!p0 [spmem:s13], $0x80, $0x38;
	[tilespmem:$0x192A0] =	vst v63  }
0x27: {  	_ =	swait.ge @!p0 [sflag:s0], $0x80  }
0x28: {  	[sflag:s0] =	ssyncset.done @!p0 $0x0  }
0x29: {  	[sflag:s0] =	ssyncadd.s32 @!p0 $0xFFFFFF80  }
0x2a: {  	v9 =	vld @!p0 [tilespmem:$0x19180]  }
0x2b: {  	v10 =	vld @!p0 [tilespmem:$0x19200];
	_ =	sdelay $0x4  }
0x2c: {  	(xrf1) =	vsort.ascd.msk.f32 @!p0 $0xffff, v9, v10;
	_ =	sdelay $0xa  }
0x2d: {  	v9 =	vlaneseq.u32 @!p0  }
0x2e: {  	v9 =	vmul.u32 @!p0 $0xFFFFFFFF, v9;
	_ =	sdelay $0x1  }
0x2f: {  	v9 =	vadd.s32 @!p0 $0xF, v9;
	v10, v13, _ =	vpop @!p0 (xrf1)  }
0x30: {  	v10 =	vperm.xlane @!p0 v10, v9  }
0x31: {  	v9 =	vperm.xlane @!p0 v13, v9  }
0x32: {  	vm0 =	vle.f32 @!p0 v12, v10  }
0x33: {  	v10 =	vsel @!p0 vm0, v12, v10;
	v9 =	vsel @!p0 vm0, v11, v9  }
0x34: {  	(xrf1) =	vsort.ascd.msk.f32 @!p0 $0xffff, v10, v9;
	_ =	sdelay $0xc  }
0x35: {  	s28 =	sadd.s32 $0x1, s28  }
0x36: {  	p1 =	sne.s32 s28, s15;
	_, v9, _ =	vpop @!p0 (xrf1)  }
.Ltmp1:
0x37: {  	s2 =	simm.s32 @!p0 $0x19100;
	s1 =	simm.s32 @!p0 $0x0;
	[tilespmem:$0x19100] =	vst @!p0 v9;
	(pc) =	sbr.rel @!p1 .LBB2_10-.Ltmp1, $4  }
0x38: {  	[hbm4b:s14+s1] =	stream.linear.scatter @!p0 [tilespmem:s2], [sflag:$0x5], $0x10, $0x38;
	[tilespmem:$0x192A0] =	vst v63  }
0x39: {  	_ =	swait.ge @!p0 [sflag:s0], $0x10  }
0x3a: {  	[sflag:s0] =	ssyncset.done @!p0 $0x0  }
0x3b: {  	[sflag:s0] =	ssyncadd.s32 @!p0 $0xFFFFFFF0  }
.LBB2_1:
0x3c: {  	s0 =	rddreg [dreg:$0x0];
	s1 =	simm.s32 $0x19000  }
0x3d: {  	[tilespmem:s1], [sflag:$0x5] =	stream.linear.gather [hbm4b:s0+s3], $0x2, $0x38;
	[tilespmem:$0x192A0] =	vst v63  }
0x3e: {  	_ =	swait.ge [sflag:s17], $0x2  }
0x3f: {  	[sflag:s17] =	ssyncset.done $0x0  }
0x40: {  	s21 =	rddreg [dreg:$0x6];
	[sflag:s17] =	ssyncadd.s32 $0xFFFFFFFE  }
0x41: {  	v10 =	vld [tilespmem:$0x19000];
	[tilespmem:s3], [sflag:$0x1] =	stream.linear.gather [hbm4b:s21+s3], $0x6400, $0x38  }
0x42: {  	s22 =	simm.s32 $0xC800  }
0x43: {  	[tilespmem:s22], [sflag:$0x3] =	stream.linear.gather [hbm4b:s7+s3], $0x6400, $0x38;
	[tilespmem:$0x192A0] =	vst v63  }
0x44: {  	_ =	swait.ge [sflag:s19], $0x6400  }
0x45: {  	[sflag:s19] =	ssyncset.done $0x0  }
0x46: {  	[sflag:s19] =	ssyncadd.s32 $0xFFFF9C00  }
0x47: {  	_ =	swait.ge [sflag:s20], $0x6400  }
0x48: {  	[sflag:s20] =	ssyncset.done $0x0  }
0x49: {  	s25 =	simm.s32 $0x6400;
	[sflag:s20] =	ssyncadd.s32 $0xFFFF9C00  }
0x4a: {  	[tilespmem:s25], [sflag:$0x2] =	stream.linear.gather [hbm4b:s8+s3], $0x6400, $0x38;
	[tilespmem:$0x192A0] =	vst v63  }
0x4b: {  	s26 =	simm.s32 $0x12C00  }
0x4c: {  	[tilespmem:s26], [sflag:$0x4] =	stream.linear.gather [hbm4b:s9+s3], $0x6400, $0x38;
	[tilespmem:$0x192A0] =	vst v63  }
0x4d: {  	v11 =	vld [tilespmem:$0x0]  }
0x4e: {  	v12 =	vld [tilespmem:$0xC800];
	_ =	sdelay $0x2  }
0x4f: {  	v9 =	vbroadcast v10, $0x0;
	v10 =	vbroadcast v10, $0x1;
	_ =	sdelay $0x1  }
0x50: {  	v11 =	vsub.f32 v11, v9;
	v12 =	vsub.f32 v12, v10;
	_ =	sdelay $0x1  }
0x51: {  	v11 =	vmul.f32 v11, v11;
	v12 =	vmul.f32 v12, v12;
	_ =	sdelay $0x1  }
0x52: {  	v11 =	vadd.f32 v12, v11;
	_ =	sdelay $0x1  }
0x53: {  	(xrf1) =	vsort.ascd.msk.f32 $0xffff, v11, v6;
	_ =	sdelay $0x7  }
0x54: {  	v12 =	vld [tilespmem:$0xC810]  }
0x55: {  	v11 =	vld [tilespmem:$0x10];
	_ =	sdelay $0x3  }
0x56: {  	v12 =	vsub.f32 v12, v10  }
0x57: {  	v11 =	vsub.f32 v11, v9;
	v13, v14, _ =	vpop (xrf1)  }
0x58: {  	v12 =	vmul.f32 v12, v12;
	v13 =	vperm.xlane v13, v8  }
0x59: {  	v11 =	vmul.f32 v11, v11;
	v14 =	vperm.xlane v14, v8  }
0x5a: {  	vm0 =	veq.f32 v13, $+Inf  }
0x5b: {  	v11 =	vadd.f32 v12, v11;
	v14 =	vsel vm0, $0x0, v14  }
0x5c: {  	(xrf1) =	vsort.ascd.msk.f32 $0xffff, v13, v14  }
0x5d: {  	(xrf1) =	vsort.ascd.msk.f32 $0xffff, v11, v0;
	_ =	sdelay $0x7  }
0x5e: {  	v12 =	vld [tilespmem:$0xC820]  }
0x5f: {  	v11 =	vld [tilespmem:$0x20];
	_ =	sdelay $0x3  }
0x60: {  	v12 =	vsub.f32 v12, v10;
	v13, v14, _ =	vpop (xrf1)  }
0x61: {  	v11 =	vsub.f32 v11, v9;
	v15, v16, _ =	vpop (xrf1)  }
0x62: {  	v12 =	vmul.f32 v12, v12;
	v15 =	vperm.xlane v15, v8  }
0x63: {  	v11 =	vmul.f32 v11, v11;
	v16 =	vperm.xlane v16, v8  }
0x64: {  	vm9 =	vle.f32 v13, v15  }
0x65: {  	v11 =	vadd.f32 v12, v11;
	v13 =	vsel vm9, v13, v15;
	v14 =	vsel vm9, v14, v16  }
0x66: {  	(xrf1) =	vsort.ascd.msk.f32 $0xffff, v13, v14  }
0x67: {  	(xrf1) =	vsort.ascd.msk.f32 $0xffff, v11, v1;
	_ =	sdelay $0x7  }
0x68: {  	v12 =	vld [tilespmem:$0xC830]  }
0x69: {  	v11 =	vld [tilespmem:$0x30];
	_ =	sdelay $0x3  }
0x6a: {  	v12 =	vsub.f32 v12, v10;
	v13, v14, _ =	vpop (xrf1)  }
0x6b: {  	v11 =	vsub.f32 v11, v9;
	v15, v59, _ =	vpop (xrf1)  }
0x6c: {  	v12 =	vmul.f32 v12, v12;
	v15 =	vperm.xlane v15, v8  }
0x6d: {  	v11 =	vmul.f32 v11, v11;
	v16 =	vperm.xlane v59, v8  }
0x6e: {  	vm10 =	vle.f32 v13, v15  }
0x6f: {  	v11 =	vadd.f32 v12, v11;
	v13 =	vsel vm10, v13, v15;
	v14 =	vsel vm10, v14, v16  }
0x70: {  	(xrf1) =	vsort.ascd.msk.f32 $0xffff, v13, v14  }
0x71: {  	(xrf1) =	vsort.ascd.msk.f32 $0xffff, v11, v2;
	_ =	sdelay $0x7  }
0x72: {  	v12 =	vld [tilespmem:$0xC840]  }
0x73: {  	v11 =	vld [tilespmem:$0x40];
	_ =	sdelay $0x3  }
0x74: {  	v12 =	vsub.f32 v12, v10;
	v13, v14, _ =	vpop (xrf1)  }
0x75: {  	v11 =	vsub.f32 v11, v9;
	v15, v60, _ =	vpop (xrf1)  }
0x76: {  	v12 =	vmul.f32 v12, v12;
	v15 =	vperm.xlane v15, v8  }
0x77: {  	v11 =	vmul.f32 v11, v11;
	v16 =	vperm.xlane v60, v8  }
0x78: {  	vm11 =	vle.f32 v13, v15  }
0x79: {  	v11 =	vadd.f32 v12, v11;
	v13 =	vsel vm11, v13, v15;
	v14 =	vsel vm11, v14, v16  }
0x7a: {  	(xrf1) =	vsort.ascd.msk.f32 $0xffff, v13, v14  }
0x7b: {  	(xrf1) =	vsort.ascd.msk.f32 $0xffff, v11, v3;
	_ =	sdelay $0x7  }
0x7c: {  	v12 =	vld [tilespmem:$0xC850]  }
0x7d: {  	v11 =	vld [tilespmem:$0x50];
	_ =	sdelay $0x3  }
0x7e: {  	v12 =	vsub.f32 v12, v10;
	v13, v14, _ =	vpop (xrf1)  }
0x7f: {  	v11 =	vsub.f32 v11, v9;
	v15, v61, _ =	vpop (xrf1)  }
0x80: {  	v12 =	vmul.f32 v12, v12;
	v15 =	vperm.xlane v15, v8  }
0x81: {  	v11 =	vmul.f32 v11, v11;
	v16 =	vperm.xlane v61, v8  }
0x82: {  	vm12 =	vle.f32 v13, v15  }
0x83: {  	v11 =	vadd.f32 v12, v11;
	v13 =	vsel vm12, v13, v15;
	v14 =	vsel vm12, v14, v16  }
0x84: {  	(xrf1) =	vsort.ascd.msk.f32 $0xffff, v13, v14  }
0x85: {  	(xrf1) =	vsort.ascd.msk.f32 $0xffff, v11, v4;
	_ =	sdelay $0x7  }
0x86: {  	v12 =	vld [tilespmem:$0xC860]  }
0x87: {  	v11 =	vld [tilespmem:$0x60];
	_ =	sdelay $0x3  }
0x88: {  	v12 =	vsub.f32 v12, v10;
	v13, v14, _ =	vpop (xrf1)  }
0x89: {  	v11 =	vsub.f32 v11, v9;
	v15, v62, _ =	vpop (xrf1)  }
0x8a: {  	v12 =	vmul.f32 v12, v12;
	v15 =	vperm.xlane v15, v8  }
0x8b: {  	v11 =	vmul.f32 v11, v11;
	v16 =	vperm.xlane v62, v8  }
0x8c: {  	vm13 =	vle.f32 v13, v15  }
0x8d: {  	v11 =	vadd.f32 v12, v11;
	v13 =	vsel vm13, v13, v15;
	v14 =	vsel vm13, v14, v16  }
0x8e: {  	(xrf1) =	vsort.ascd.msk.f32 $0xffff, v13, v14  }
0x8f: {  	(xrf1) =	vsort.ascd.msk.f32 $0xffff, v11, v5;
	_ =	sdelay $0x7  }
0x90: {  	v12 =	vld [tilespmem:$0xC870]  }
0x91: {  	v11 =	vld [tilespmem:$0x70];
	_ =	sdelay $0x3  }
0x92: {  	v12 =	vsub.f32 v12, v10;
	v13, v14, _ =	vpop (xrf1)  }
0x93: {  	v11 =	vsub.f32 v11, v9;
	v15, v63, _ =	vpop (xrf1)  }
0x94: {  	v12 =	vmul.f32 v12, v12;
	v15 =	vperm.xlane v15, v8  }
0x95: {  	v11 =	vmul.f32 v11, v11;
	v16 =	vperm.xlane v63, v8  }
0x96: {  	vm14 =	vle.f32 v13, v15  }
0x97: {  	v11 =	vadd.f32 v12, v11;
	v13 =	vsel vm14, v13, v15;
	v14 =	vsel vm14, v14, v16  }
0x98: {  	(xrf1) =	vsort.ascd.msk.f32 $0xffff, v13, v14  }
0x99: {  	(xrf1) =	vsort.ascd.msk.f32 $0xffff, v11, v7;
	_ =	sdelay $0xc  }
0x9a: {  	v11, v12, _ =	vpop (xrf1)  }
0x9b: {  	v13, v14, _ =	vpop (xrf1)  }
0x9c: {  	v13 =	vperm.xlane v13, v8  }
0x9d: {  	v14 =	vperm.xlane v14, v8  }
0x9e: {  	vm15 =	vle.f32 v11, v13  }
0x9f: {  	v11 =	vsel vm15, v11, v13;
	v12 =	vsel vm15, v12, v14  }
0xa0: {  	(xrf1) =	vsort.ascd.msk.f32 $0xffff, v11, v12;
	_ =	sdelay $0xd  }
0xa1: {  	v12, v11, _ =	vpop (xrf1)  }
0xa2: {  	(xrf0) =	vmax.scan.msk.f32 $0xffff, v12;
	_ =	sdelay $0x5  }
0xa3: {  	v13, _, _ =	vpop (xrf0)  }
0xa4: {  	(v2sf) =	vpush v13, $0xF;
	_ =	sdelay $0xa  }
.Ltmp2:
0xa5: {  	_ = 	snop;
	(pc) =	sbr.rel .LBB2_2-.Ltmp2, $3  }
0xa6: {  	_ =	sdelay $0x1  }
0xa7: {  	s30 =	simm.s32 $0x80  }
0xa8: {  	s31 =	simm.s32 $0xC7;
	s0 =	simm.s32 $0x0;
	s29 =	spop (v2sf)  }
.LBB2_4:
0xa9: {  	s31 =	sadd.s32 $0xFFFFFFFF, s31  }
0xaa: {  	p2 =	sne.s32 s31, $0x0  }
.Ltmp3:
0xab: {  	_ = 	snop;
	(pc) =	sbr.rel @!p2 .LBB2_5-.Ltmp3, $4  }
0xac: {  	s30 =	sadd.s32 $0x80, s30  }
0xad: {  	s1 =	simm.s32 $0x1;
	p1 =	sgt.s32 s30, $0xC7F  }
0xae: {  	s1 =	simm.s32 @!p1 $0x0  }
0xaf: {  	s30 =	simm.s32 @p1 $0x0;
	s0 =	sadd.s32 s1, s0  }
.LBB2_2:
0xb0: {  	s1 =	sshrl.u32 s0, $0x3;
	s22 =	sshll.u32 s30, $0x3  }
0xb1: {  	s16 =	sand.u32 $0x7F, s30;
	s21 =	sadd.s32 $0x10, s30;
	s2 =	smul.u32 $0x6400, s1  }
0xb2: {  	s25 =	sshll.u32 s0, $0x7;
	s1 =	sand.u32 $0xFFFFFC00, s22;
	s26 =	sshll.u32 s21, $0x3  }
0xb3: {  	s22 =	sadd.s32 $0x20, s30;
	s21 =	sand.u32 $0x7F, s21;
	s18 =	sadd.s32 s2, s1  }
0xb4: {  	s1 =	sand.u32 $0x380, s25;
	s25 =	sshll.u32 s22, $0x3;
	s22 =	sand.u32 $0x7F, s22  }
0xb5: {  	s16 =	sor.u32 s16, s18;
	s18 =	sand.u32 $0xFFFFFC00, s26;
	s6 =	sand.u32 $0xFFFFFC00, s25  }
0xb6: {  	s25 =	sadd.s32 $0x30, s30;
	s16 =	sor.u32 s1, s16;
	s18 =	sadd.s32 s2, s18  }
0xb7: {  	s26 =	sshll.u32 s25, $0x3;
	s18 =	sor.u32 s21, s18;
	v13 =	vld [tilespmem:s16+$0x0];
	s21 =	sadd.s32 s2, s6  }
0xb8: {  	v14 =	vld [tilespmem:s16+$0xC800];
	s18 =	sor.u32 s1, s18;
	s6 =	sor.u32 s22, s21;
	s22 =	sand.u32 $0xFFFFFC00, s26  }
0xb9: {  	s25 =	sand.u32 $0x7F, s25;
	s26 =	sadd.s32 $0x40, s30;
	v15 =	vld [tilespmem:s18+$0x0];
	s21 =	sadd.s32 s2, s22  }
0xba: {  	v16 =	vld [tilespmem:s18+$0xC800];
	s6 =	sor.u32 s1, s6;
	s22 =	sshll.u32 s26, $0x3;
	s21 =	sor.u32 s25, s21  }
0xbb: {  	v17 =	vld [tilespmem:s6+$0x0];
	s18 =	sor.u32 s1, s21;
	s21 =	sand.u32 $0xFFFFFC00, s22;
	s22 =	sadd.s32 $0x50, s30  }
0xbc: {  	v18 =	vld [tilespmem:s6+$0xC800];
	s25 =	sand.u32 $0x7F, s26;
	s21 =	sadd.s32 s2, s21;
	s26 =	sshll.u32 s22, $0x3  }
0xbd: {  	v19 =	vld [tilespmem:s18+$0x0];
	s16 =	sor.u32 s25, s21;
	s6 =	sand.u32 $0xFFFFFC00, s26  }
0xbe: {  	v20 =	vld [tilespmem:s18+$0xC800];
	s25 =	sand.u32 $0x7F, s22;
	s16 =	sor.u32 s1, s16;
	s21 =	sadd.s32 s2, s6  }
0xbf: {  	s26 =	sadd.s32 $0x60, s30;
	v21 =	vld [tilespmem:s16+$0x0];
	s18 =	sor.u32 s25, s21  }
0xc0: {  	v13 =	vsub.f32 v13, v9;
	s22 =	sshll.u32 s26, $0x3;
	v22 =	vld [tilespmem:s16+$0xC800];
	s6 =	sor.u32 s1, s18  }
0xc1: {  	v14 =	vsub.f32 v14, v10;
	s25 =	sadd.s32 $0x70, s30;
	s18 =	sand.u32 $0xFFFFFC00, s22;
	v23 =	vld [tilespmem:s6+$0x0]  }
0xc2: {  	v13 =	vmul.f32 v13, v13;
	v15 =	vsub.f32 v15, v9;
	s26 =	sand.u32 $0x7F, s26;
	v24 =	vld [tilespmem:s6+$0xC800];
	s18 =	sadd.s32 s2, s18;
	s6 =	sshll.u32 s25, $0x3  }
0xc3: {  	v16 =	vsub.f32 v16, v10;
	v14 =	vmul.f32 v14, v14;
	v17 =	vsub.f32 v17, v9;
	s16 =	sor.u32 s26, s18;
	s21 =	sand.u32 $0xFFFFFC00, s6  }
0xc4: {  	v18 =	vsub.f32 v18, v10;
	v15 =	vmul.f32 v15, v15;
	v19 =	vsub.f32 v19, v9;
	s25 =	sand.u32 $0x7F, s25;
	s2 =	sadd.s32 s2, s21;
	s16 =	sor.u32 s1, s16  }
0xc5: {  	v16 =	vmul.f32 v16, v16;
	v17 =	vmul.f32 v17, v17;
	v20 =	vsub.f32 v20, v10;
	v25 =	vld [tilespmem:s16+$0x0];
	s2 =	sor.u32 s25, s2  }
0xc6: {  	v26 =	vmul.f32 v19, v19;
	v19 =	vsub.f32 v21, v9;
	v21 =	vsub.f32 v22, v10;
	v22 =	vld [tilespmem:s16+$0xC800];
	s1 =	sor.u32 s1, s2  }
0xc7: {  	v18 =	vmul.f32 v18, v18;
	v27 =	vmul.f32 v20, v20;
	v20 =	vadd.f32 v14, v13;
	v28 =	vld [tilespmem:s1+$0x0]  }
0xc8: {  	v23 =	vsub.f32 v23, v9;
	v24 =	vsub.f32 v24, v10;
	v14 =	vmul.f32 v21, v21;
	v21 =	vld [tilespmem:s1+$0xC800]  }
0xc9: {  	v18 =	vadd.f32 v18, v17;
	v17 =	vadd.f32 v27, v26;
	v13 =	vmul.f32 v19, v19  }
0xca: {  	v19 =	vadd.f32 v16, v15;
	v15 =	vmul.f32 v23, v23;
	v23 =	vmul.f32 v24, v24  }
0xcb: {  	v16 =	vadd.f32 v14, v13;
	v13 =	vsub.f32 v25, v9  }
0xcc: {  	v14 =	vsub.f32 v22, v10;
	v15 =	vadd.f32 v23, v15  }
0xcd: {  	v23 =	vmin.f32 v20, v19;
	v22 =	vsub.f32 v28, v9;
	v21 =	vsub.f32 v21, v10  }
0xce: {  	v13 =	vmul.f32 v13, v13;
	v14 =	vmul.f32 v14, v14;
	v23 =	vmin.f32 v23, v18  }
0xcf: {  	v23 =	vmin.f32 v23, v17;
	v22 =	vmul.f32 v22, v22;
	v21 =	vmul.f32 v21, v21  }
0xd0: {  	v14 =	vadd.f32 v14, v13;
	v23 =	vmin.f32 v23, v16  }
0xd1: {  	v13 =	vadd.f32 v21, v22;
	v21 =	vmin.f32 v23, v15  }
0xd2: {  	v21 =	vmin.f32 v21, v14  }
0xd3: {  	v21 =	vmin.f32 v21, v13  }
0xd4: {  	(xrf0) =	vmin.scan.msk.f32 $0xffff, v21;
	_ =	sdelay $0x5  }
0xd5: {  	v21, _, _ =	vpop (xrf0)  }
0xd6: {  	(v2sf) =	vpush v21, $0xF;
	_ =	sdelay $0xe  }
0xd7: {  	s26 =	spop (v2sf)  }
0xd8: {  	p1 =	slt.f32 s26, s29  }
.Ltmp4:
0xd9: {  	_ = 	snop;
	(pc) =	sbr.rel @!p1 .LBB2_4-.Ltmp4, $1  }
0xda: {  	_ =	sdelay $0x3  }
0xdb: {  	(xrf0) =	vmin.scan.msk.f32 $0xffff, v20;
	_ =	sdelay $0x5  }
0xdc: {  	v21, _, _ =	vpop (xrf0)  }
0xdd: {  	(v2sf) =	vpush v21, $0xF;
	_ =	sdelay $0xe  }
0xde: {  	s1 =	smul.u32 $0x3200, s0;
	s2 =	spop (v2sf)  }
0xdf: {  	p1 =	slt.f32 s2, s29  }
0xe0: {  	s1 =	sadd.s32 s4, s1  }
0xe1: {  	s2 =	sadd.s32 s30, s1;
	v21 =	vlaneseq.u32 @p1  }
0xe2: {  	v22 =	vadd.s32 @p1 s2, v21  }
0xe3: {  	(xrf1) =	vsort.ascd.msk.f32 @p1 $0xffff, v20, v22;
	_ =	sdelay $0xb  }
0xe4: {  	v20 =	vmul.u32 @p1 $0xFFFFFFFF, v21;
	_ =	sdelay $0x1  }
0xe5: {  	v20 =	vadd.s32 @p1 $0xF, v20;
	v21, v22, _ =	vpop @p1 (xrf1)  }
0xe6: {  	v21 =	vperm.xlane @p1 v21, v20  }
0xe7: {  	v20 =	vperm.xlane @p1 v22, v20  }
0xe8: {  	vm0 =	vle.f32 @p1 v12, v21  }
0xe9: {  	v21 =	vsel @p1 vm0, v12, v21;
	v20 =	vsel @p1 vm0, v11, v20  }
0xea: {  	(xrf1) =	vsort.ascd.msk.f32 @p1 $0xffff, v21, v20;
	_ =	sdelay $0x6  }
0xeb: {  	(xrf0) =	vmin.scan.msk.f32 $0xffff, v19;
	_ =	sdelay $0x1  }
0xec: {  	(xrf0) =	vmin.scan.msk.f32 $0xffff, v18  }
0xed: {  	(xrf0) =	vmin.scan.msk.f32 $0xffff, v17  }
0xee: {  	(xrf0) =	vmin.scan.msk.f32 $0xffff, v16  }
0xef: {  	(xrf0) =	vmin.scan.msk.f32 $0xffff, v15  }
0xf0: {  	(xrf0) =	vmin.scan.msk.f32 $0xffff, v14;
	v58, _, _ =	vpop (xrf0)  }
0xf1: {  	(xrf0) =	vmin.scan.msk.f32 $0xffff, v13;
	v21, v22, _ =	vpop @p1 (xrf1)  }
0xf2: {  	v59, _, _ =	vpop (xrf0);
	(v2sf) =	vpush v58, $0xF;
	(xrf0) =	vmax.scan.msk.f32 @p1 $0xffff, v21  }
0xf3: {  	v23, _, _ =	vpop (xrf0);
	(v2sf) =	vpush v59, $0xF  }
0xf4: {  	v60, _, _ =	vpop (xrf0);
	(v2sf) =	vpush v23, $0xF  }
0xf5: {  	v61, _, _ =	vpop (xrf0);
	(v2sf) =	vpush v60, $0xF  }
0xf6: {  	v62, _, _ =	vpop (xrf0);
	(v2sf) =	vpush v61, $0xF  }
0xf7: {  	v63, _, _ =	vpop (xrf0);
	(v2sf) =	vpush v62, $0xF  }
0xf8: {  	(v2sf) =	vpush v63, $0xF;
	v20, _, _ =	vpop @p1 (xrf0)  }
0xf9: {  	(v2sf) =	vpush @p1 v20, $0xF;
	_ =	sdelay $0x7  }
0xfa: {  	s22 =	spop (v2sf)  }
0xfb: {  	s25 =	spop (v2sf)  }
0xfc: {  	s26 =	spop (v2sf)  }
0xfd: {  	s21 =	spop (v2sf)  }
0xfe: {  	s18 =	spop (v2sf)  }
0xff: {  	s16 =	spop (v2sf)  }
0x100: {  	s1 =	spop (v2sf)  }
0x101: {  	s6 =	spop @p1 (v2sf)  }
0x102: {  	s29 =	smov.u32 @p1 s6  }
0x103: {  	p2 =	slt.f32 s22, s29;
	_ =	sdelay $0x1  }
0x104: {  	s6 =	sadd.s32 @p2 $0x10, s2;
	v20 =	vlaneseq.u32 @p2  }
0x105: {  	v23 =	vadd.s32 @p2 s6, v20  }
0x106: {  	(xrf1) =	vsort.ascd.msk.f32 @p2 $0xffff, v19, v23;
	_ =	sdelay $0xb  }
0x107: {  	v19 =	vmul.u32 @p2 $0xFFFFFFFF, v20;
	_ =	sdelay $0x1  }
0x108: {  	v19 =	vadd.s32 @p2 $0xF, v19;
	v20, v23, _ =	vpop @p2 (xrf1)  }
0x109: {  	v20 =	vperm.xlane @p2 v20, v19  }
0x10a: {  	v12 =	vpsel p1, v21, v12;
	v19 =	vperm.xlane @p2 v23, v19  }
0x10b: {  	v11 =	vpsel p1, v22, v11;
	vm0 =	vle.f32 @p2 v12, v20  }
0x10c: {  	v20 =	vsel @p2 vm0, v12, v20;
	v19 =	vsel @p2 vm0, v11, v19  }
0x10d: {  	(xrf1) =	vsort.ascd.msk.f32 @p2 $0xffff, v20, v19;
	_ =	sdelay $0xd  }
0x10e: {  	v19, v20, _ =	vpop @p2 (xrf1)  }
0x10f: {  	(xrf0) =	vmax.scan.msk.f32 @p2 $0xffff, v19;
	_ =	sdelay $0x5  }
0x110: {  	v21, _, _ =	vpop @p2 (xrf0)  }
0x111: {  	(v2sf) =	vpush @p2 v21, $0xF;
	_ =	sdelay $0xe  }
0x112: {  	s6 =	spop @p2 (v2sf)  }
0x113: {  	s29 =	smov.u32 @p2 s6  }
0x114: {  	p1 =	slt.f32 s25, s29;
	_ =	sdelay $0x1  }
0x115: {  	s6 =	sadd.s32 @p1 $0x20, s2;
	v21 =	vlaneseq.u32 @p1  }
0x116: {  	v22 =	vadd.s32 @p1 s6, v21  }
0x117: {  	(xrf1) =	vsort.ascd.msk.f32 @p1 $0xffff, v18, v22;
	_ =	sdelay $0xb  }
0x118: {  	v18 =	vmul.u32 @p1 $0xFFFFFFFF, v21;
	_ =	sdelay $0x1  }
0x119: {  	v18 =	vadd.s32 @p1 $0xF, v18;
	v21, v22, _ =	vpop @p1 (xrf1)  }
0x11a: {  	v21 =	vperm.xlane @p1 v21, v18  }
0x11b: {  	v12 =	vpsel p2, v19, v12;
	v18 =	vperm.xlane @p1 v22, v18  }
0x11c: {  	v11 =	vpsel p2, v20, v11;
	vm0 =	vle.f32 @p1 v12, v21  }
0x11d: {  	v19 =	vsel @p1 vm0, v12, v21;
	v18 =	vsel @p1 vm0, v11, v18  }
0x11e: {  	(xrf1) =	vsort.ascd.msk.f32 @p1 $0xffff, v19, v18;
	_ =	sdelay $0xd  }
0x11f: {  	v18, v19, _ =	vpop @p1 (xrf1)  }
0x120: {  	(xrf0) =	vmax.scan.msk.f32 @p1 $0xffff, v18;
	_ =	sdelay $0x5  }
0x121: {  	v20, _, _ =	vpop @p1 (xrf0)  }
0x122: {  	(v2sf) =	vpush @p1 v20, $0xF;
	_ =	sdelay $0xe  }
0x123: {  	s6 =	spop @p1 (v2sf)  }
0x124: {  	s29 =	smov.u32 @p1 s6  }
0x125: {  	p2 =	slt.f32 s26, s29;
	_ =	sdelay $0x1  }
0x126: {  	s6 =	sadd.s32 @p2 $0x30, s2;
	v20 =	vlaneseq.u32 @p2  }
0x127: {  	v21 =	vadd.s32 @p2 s6, v20  }
0x128: {  	(xrf1) =	vsort.ascd.msk.f32 @p2 $0xffff, v17, v21;
	_ =	sdelay $0xb  }
0x129: {  	v17 =	vmul.u32 @p2 $0xFFFFFFFF, v20;
	_ =	sdelay $0x1  }
0x12a: {  	v17 =	vadd.s32 @p2 $0xF, v17;
	v20, v21, _ =	vpop @p2 (xrf1)  }
0x12b: {  	v20 =	vperm.xlane @p2 v20, v17  }
0x12c: {  	v12 =	vpsel p1, v18, v12;
	v17 =	vperm.xlane @p2 v21, v17  }
0x12d: {  	v11 =	vpsel p1, v19, v11;
	vm0 =	vle.f32 @p2 v12, v20  }
0x12e: {  	v18 =	vsel @p2 vm0, v12, v20;
	v17 =	vsel @p2 vm0, v11, v17  }
0x12f: {  	(xrf1) =	vsort.ascd.msk.f32 @p2 $0xffff, v18, v17;
	_ =	sdelay $0xd  }
0x130: {  	v17, v18, _ =	vpop @p2 (xrf1)  }
0x131: {  	(xrf0) =	vmax.scan.msk.f32 @p2 $0xffff, v17;
	_ =	sdelay $0x5  }
0x132: {  	v19, _, _ =	vpop @p2 (xrf0)  }
0x133: {  	(v2sf) =	vpush @p2 v19, $0xF;
	_ =	sdelay $0xe  }
0x134: {  	s6 =	spop @p2 (v2sf)  }
0x135: {  	s29 =	smov.u32 @p2 s6  }
0x136: {  	p1 =	slt.f32 s21, s29;
	_ =	sdelay $0x1  }
0x137: {  	s6 =	sadd.s32 @p1 $0x40, s2;
	v19 =	vlaneseq.u32 @p1  }
0x138: {  	v20 =	vadd.s32 @p1 s6, v19  }
0x139: {  	(xrf1) =	vsort.ascd.msk.f32 @p1 $0xffff, v16, v20;
	_ =	sdelay $0xb  }
0x13a: {  	v16 =	vmul.u32 @p1 $0xFFFFFFFF, v19;
	_ =	sdelay $0x1  }
0x13b: {  	v16 =	vadd.s32 @p1 $0xF, v16;
	v19, v20, _ =	vpop @p1 (xrf1)  }
0x13c: {  	v19 =	vperm.xlane @p1 v19, v16  }
0x13d: {  	v12 =	vpsel p2, v17, v12;
	v16 =	vperm.xlane @p1 v20, v16  }
0x13e: {  	v11 =	vpsel p2, v18, v11;
	vm0 =	vle.f32 @p1 v12, v19  }
0x13f: {  	v17 =	vsel @p1 vm0, v12, v19;
	v16 =	vsel @p1 vm0, v11, v16  }
0x140: {  	(xrf1) =	vsort.ascd.msk.f32 @p1 $0xffff, v17, v16;
	_ =	sdelay $0xd  }
0x141: {  	v16, v17, _ =	vpop @p1 (xrf1)  }
0x142: {  	(xrf0) =	vmax.scan.msk.f32 @p1 $0xffff, v16;
	_ =	sdelay $0x5  }
0x143: {  	v18, _, _ =	vpop @p1 (xrf0)  }
0x144: {  	(v2sf) =	vpush @p1 v18, $0xF;
	_ =	sdelay $0xe  }
0x145: {  	s6 =	spop @p1 (v2sf)  }
0x146: {  	s29 =	smov.u32 @p1 s6  }
0x147: {  	p2 =	slt.f32 s18, s29;
	_ =	sdelay $0x1  }
0x148: {  	s6 =	sadd.s32 @p2 $0x50, s2;
	v18 =	vlaneseq.u32 @p2  }
0x149: {  	v19 =	vadd.s32 @p2 s6, v18  }
0x14a: {  	(xrf1) =	vsort.ascd.msk.f32 @p2 $0xffff, v15, v19;
	_ =	sdelay $0xb  }
0x14b: {  	v15 =	vmul.u32 @p2 $0xFFFFFFFF, v18;
	_ =	sdelay $0x1  }
0x14c: {  	v15 =	vadd.s32 @p2 $0xF, v15;
	v18, v19, _ =	vpop @p2 (xrf1)  }
0x14d: {  	v18 =	vperm.xlane @p2 v18, v15  }
0x14e: {  	v12 =	vpsel p1, v16, v12;
	v15 =	vperm.xlane @p2 v19, v15  }
0x14f: {  	v11 =	vpsel p1, v17, v11;
	vm0 =	vle.f32 @p2 v12, v18  }
0x150: {  	v16 =	vsel @p2 vm0, v12, v18;
	v15 =	vsel @p2 vm0, v11, v15  }
0x151: {  	(xrf1) =	vsort.ascd.msk.f32 @p2 $0xffff, v16, v15;
	_ =	sdelay $0xd  }
0x152: {  	v15, v16, _ =	vpop @p2 (xrf1)  }
0x153: {  	(xrf0) =	vmax.scan.msk.f32 @p2 $0xffff, v15;
	_ =	sdelay $0x5  }
0x154: {  	v17, _, _ =	vpop @p2 (xrf0)  }
0x155: {  	(v2sf) =	vpush @p2 v17, $0xF;
	_ =	sdelay $0xe  }
0x156: {  	s6 =	spop @p2 (v2sf)  }
0x157: {  	s29 =	smov.u32 @p2 s6  }
0x158: {  	p1 =	slt.f32 s16, s29;
	_ =	sdelay $0x1  }
0x159: {  	s6 =	sadd.s32 @p1 $0x60, s2;
	v17 =	vlaneseq.u32 @p1  }
0x15a: {  	v18 =	vadd.s32 @p1 s6, v17  }
0x15b: {  	(xrf1) =	vsort.ascd.msk.f32 @p1 $0xffff, v14, v18;
	_ =	sdelay $0xb  }
0x15c: {  	v14 =	vmul.u32 @p1 $0xFFFFFFFF, v17;
	_ =	sdelay $0x1  }
0x15d: {  	v14 =	vadd.s32 @p1 $0xF, v14;
	v17, v18, _ =	vpop @p1 (xrf1)  }
0x15e: {  	v17 =	vperm.xlane @p1 v17, v14  }
0x15f: {  	v12 =	vpsel p2, v15, v12;
	v14 =	vperm.xlane @p1 v18, v14  }
0x160: {  	v11 =	vpsel p2, v16, v11;
	vm0 =	vle.f32 @p1 v12, v17  }
0x161: {  	v15 =	vsel @p1 vm0, v12, v17;
	v14 =	vsel @p1 vm0, v11, v14  }
0x162: {  	(xrf1) =	vsort.ascd.msk.f32 @p1 $0xffff, v15, v14;
	_ =	sdelay $0xd  }
0x163: {  	v14, v15, _ =	vpop @p1 (xrf1)  }
0x164: {  	(xrf0) =	vmax.scan.msk.f32 @p1 $0xffff, v14;
	_ =	sdelay $0x5  }
0x165: {  	v16, _, _ =	vpop @p1 (xrf0)  }
0x166: {  	(v2sf) =	vpush @p1 v16, $0xF;
	_ =	sdelay $0xe  }
0x167: {  	s6 =	spop @p1 (v2sf)  }
0x168: {  	s29 =	smov.u32 @p1 s6  }
0x169: {  	p2 =	slt.f32 s1, s29;
	_ =	sdelay $0x1  }
0x16a: {  	s1 =	sadd.s32 @p2 $0x70, s2;
	v16 =	vlaneseq.u32 @p2  }
0x16b: {  	v17 =	vadd.s32 @p2 s1, v16  }
0x16c: {  	(xrf1) =	vsort.ascd.msk.f32 @p2 $0xffff, v13, v17;
	_ =	sdelay $0xb  }
0x16d: {  	v13 =	vmul.u32 @p2 $0xFFFFFFFF, v16;
	_ =	sdelay $0x1  }
0x16e: {  	v13 =	vadd.s32 @p2 $0xF, v13;
	v16, v17, _ =	vpop @p2 (xrf1)  }
0x16f: {  	v16 =	vperm.xlane @p2 v16, v13  }
0x170: {  	v12 =	vpsel p1, v14, v12;
	v13 =	vperm.xlane @p2 v17, v13  }
0x171: {  	v11 =	vpsel p1, v15, v11;
	vm0 =	vle.f32 @p2 v12, v16  }
0x172: {  	v14 =	vsel @p2 vm0, v12, v16;
	v13 =	vsel @p2 vm0, v11, v13  }
0x173: {  	(xrf1) =	vsort.ascd.msk.f32 @p2 $0xffff, v14, v13;
	_ =	sdelay $0xd  }
0x174: {  	v13, v14, _ =	vpop @p2 (xrf1)  }
0x175: {  	(xrf0) =	vmax.scan.msk.f32 @p2 $0xffff, v13;
	_ =	sdelay $0x5  }
0x176: {  	v15, _, _ =	vpop @p2 (xrf0)  }
0x177: {  	(v2sf) =	vpush @p2 v15, $0xF;
	_ =	sdelay $0xb  }
.Ltmp5:
0x178: {  	_ = 	snop;
	(pc) =	sbr.rel .LBB2_4-.Ltmp5, $3  }
0x179: {  	_ =	sdelay $0x1  }
0x17a: {  	s1 =	spop @p2 (v2sf)  }
0x17b: {  	v12 =	vpsel p2, v13, v12;
	v11 =	vpsel p2, v14, v11;
	s29 =	smov.u32 @p2 s1  }
.LBB2_5:
0x17c: {  	_ =	swait.ge [sflag:s23], $0x6400  }
.Ltmp6:
0x17d: {  	[sflag:s23] =	ssyncset.done $0x0;
	(pc) =	sbr.rel .LBB2_6-.Ltmp6, $4  }
0x17e: {  	[sflag:s23] =	ssyncadd.s32 $0xFFFF9C00  }
0x17f: {  	_ =	swait.ge [sflag:s24], $0x6400  }
0x180: {  	s30 =	simm.s32 $0x0;
	[sflag:s24] =	ssyncset.done $0x0  }
0x181: {  	s31 =	simm.s32 $0xC8;
	s0 =	simm.s32 $0x0;
	[sflag:s24] =	ssyncadd.s32 $0xFFFF9C00  }
.LBB2_8:
0x182: {  	s31 =	sadd.s32 $0xFFFFFFFF, s31  }
0x183: {  	p2 =	sne.s32 s31, $0x0  }
.Ltmp7:
0x184: {  	_ = 	snop;
	(pc) =	sbr.rel @!p2 .LBB2_9-.Ltmp7, $4  }
0x185: {  	s30 =	sadd.s32 $0x80, s30  }
0x186: {  	s1 =	simm.s32 $0x1;
	p1 =	sgt.s32 s30, $0xC7F  }
0x187: {  	s1 =	simm.s32 @!p1 $0x0  }
0x188: {  	s30 =	simm.s32 @p1 $0x0;
	s0 =	sadd.s32 s1, s0  }
.LBB2_6:
0x189: {  	s1 =	sshrl.u32 s0, $0x3;
	s21 =	sshll.u32 s30, $0x3  }
0x18a: {  	s6 =	sand.u32 $0x7F, s30;
	s18 =	sadd.s32 $0x10, s30;
	s2 =	smul.u32 $0x6400, s1  }
0x18b: {  	s22 =	sshll.u32 s0, $0x7;
	s1 =	sand.u32 $0xFFFFFC00, s21;
	s25 =	sshll.u32 s18, $0x3  }
0x18c: {  	s21 =	sadd.s32 $0x20, s30;
	s18 =	sand.u32 $0x7F, s18;
	s16 =	sadd.s32 s2, s1  }
0x18d: {  	s1 =	sand.u32 $0x380, s22;
	s22 =	sshll.u32 s21, $0x3;
	s21 =	sand.u32 $0x7F, s21  }
0x18e: {  	s6 =	sor.u32 s6, s16;
	s16 =	sand.u32 $0xFFFFFC00, s25;
	s26 =	sand.u32 $0xFFFFFC00, s22  }
0x18f: {  	s22 =	sadd.s32 $0x30, s30;
	s6 =	sor.u32 s1, s6;
	s16 =	sadd.s32 s2, s16  }
0x190: {  	s25 =	sshll.u32 s22, $0x3;
	s16 =	sor.u32 s18, s16;
	v13 =	vld [tilespmem:s6+$0x6400];
	s18 =	sadd.s32 s2, s26  }
0x191: {  	v14 =	vld [tilespmem:s6+$0x12C00];
	s16 =	sor.u32 s1, s16;
	s26 =	sor.u32 s21, s18;
	s21 =	sand.u32 $0xFFFFFC00, s25  }
0x192: {  	s22 =	sand.u32 $0x7F, s22;
	s25 =	sadd.s32 $0x40, s30;
	v15 =	vld [tilespmem:s16+$0x6400];
	s18 =	sadd.s32 s2, s21  }
0x193: {  	v16 =	vld [tilespmem:s16+$0x12C00];
	s26 =	sor.u32 s1, s26;
	s21 =	sshll.u32 s25, $0x3;
	s18 =	sor.u32 s22, s18  }
0x194: {  	v17 =	vld [tilespmem:s26+$0x6400];
	s16 =	sor.u32 s1, s18;
	s18 =	sand.u32 $0xFFFFFC00, s21;
	s21 =	sadd.s32 $0x50, s30  }
0x195: {  	v18 =	vld [tilespmem:s26+$0x12C00];
	s22 =	sand.u32 $0x7F, s25;
	s18 =	sadd.s32 s2, s18;
	s25 =	sshll.u32 s21, $0x3  }
0x196: {  	v19 =	vld [tilespmem:s16+$0x6400];
	s6 =	sor.u32 s22, s18;
	s26 =	sand.u32 $0xFFFFFC00, s25  }
0x197: {  	v20 =	vld [tilespmem:s16+$0x12C00];
	s22 =	sand.u32 $0x7F, s21;
	s6 =	sor.u32 s1, s6;
	s18 =	sadd.s32 s2, s26  }
0x198: {  	s25 =	sadd.s32 $0x60, s30;
	v21 =	vld [tilespmem:s6+$0x6400];
	s16 =	sor.u32 s22, s18  }
0x199: {  	v13 =	vsub.f32 v13, v9;
	v22 =	vld [tilespmem:s6+$0x12C00];
	s22 =	sshll.u32 s25, $0x3;
	s26 =	sor.u32 s1, s16  }
0x19a: {  	v14 =	vsub.f32 v14, v10;
	s21 =	sadd.s32 $0x70, s30;
	s16 =	sand.u32 $0xFFFFFC00, s22;
	v23 =	vld [tilespmem:s26+$0x6400]  }
0x19b: {  	v13 =	vmul.f32 v13, v13;
	v15 =	vsub.f32 v15, v9;
	s25 =	sand.u32 $0x7F, s25;
	v24 =	vld [tilespmem:s26+$0x12C00];
	s16 =	sadd.s32 s2, s16;
	s26 =	sshll.u32 s21, $0x3  }
0x19c: {  	v16 =	vsub.f32 v16, v10;
	v14 =	vmul.f32 v14, v14;
	v17 =	vsub.f32 v17, v9;
	s6 =	sor.u32 s25, s16;
	s22 =	sand.u32 $0xFFFFFC00, s26  }
0x19d: {  	v18 =	vsub.f32 v18, v10;
	v15 =	vmul.f32 v15, v15;
	v19 =	vsub.f32 v19, v9;
	s25 =	sand.u32 $0x7F, s21;
	s2 =	sadd.s32 s2, s22;
	s6 =	sor.u32 s1, s6  }
0x19e: {  	v16 =	vmul.f32 v16, v16;
	v17 =	vmul.f32 v17, v17;
	v20 =	vsub.f32 v20, v10;
	v25 =	vld [tilespmem:s6+$0x6400];
	s2 =	sor.u32 s25, s2  }
0x19f: {  	v26 =	vmul.f32 v19, v19;
	v19 =	vsub.f32 v21, v9;
	v21 =	vsub.f32 v22, v10;
	v22 =	vld [tilespmem:s6+$0x12C00];
	s1 =	sor.u32 s1, s2  }
0x1a0: {  	v18 =	vmul.f32 v18, v18;
	v27 =	vmul.f32 v20, v20;
	v20 =	vadd.f32 v14, v13;
	v28 =	vld [tilespmem:s1+$0x6400]  }
0x1a1: {  	v23 =	vsub.f32 v23, v9;
	v24 =	vsub.f32 v24, v10;
	v14 =	vmul.f32 v21, v21;
	v21 =	vld [tilespmem:s1+$0x12C00]  }
0x1a2: {  	v18 =	vadd.f32 v18, v17;
	v17 =	vadd.f32 v27, v26;
	v13 =	vmul.f32 v19, v19  }
0x1a3: {  	v19 =	vadd.f32 v16, v15;
	v15 =	vmul.f32 v23, v23;
	v23 =	vmul.f32 v24, v24  }
0x1a4: {  	v16 =	vadd.f32 v14, v13;
	v13 =	vsub.f32 v25, v9  }
0x1a5: {  	v14 =	vsub.f32 v22, v10;
	v15 =	vadd.f32 v23, v15  }
0x1a6: {  	v23 =	vmin.f32 v20, v19;
	v22 =	vsub.f32 v28, v9;
	v21 =	vsub.f32 v21, v10  }
0x1a7: {  	v13 =	vmul.f32 v13, v13;
	v14 =	vmul.f32 v14, v14;
	v23 =	vmin.f32 v23, v18  }
0x1a8: {  	v23 =	vmin.f32 v23, v17;
	v22 =	vmul.f32 v22, v22;
	v21 =	vmul.f32 v21, v21  }
0x1a9: {  	v14 =	vadd.f32 v14, v13;
	v23 =	vmin.f32 v23, v16  }
0x1aa: {  	v13 =	vadd.f32 v21, v22;
	v21 =	vmin.f32 v23, v15  }
0x1ab: {  	v21 =	vmin.f32 v21, v14  }
0x1ac: {  	v21 =	vmin.f32 v21, v13  }
0x1ad: {  	(xrf0) =	vmin.scan.msk.f32 $0xffff, v21;
	_ =	sdelay $0x5  }
0x1ae: {  	v21, _, _ =	vpop (xrf0)  }
0x1af: {  	(v2sf) =	vpush v21, $0xF;
	_ =	sdelay $0xe  }
0x1b0: {  	s26 =	spop (v2sf)  }
0x1b1: {  	p1 =	slt.f32 s26, s29  }
.Ltmp8:
0x1b2: {  	_ = 	snop;
	(pc) =	sbr.rel @!p1 .LBB2_8-.Ltmp8, $1  }
0x1b3: {  	_ =	sdelay $0x3  }
0x1b4: {  	(xrf0) =	vmin.scan.msk.f32 $0xffff, v20;
	_ =	sdelay $0x5  }
0x1b5: {  	v21, _, _ =	vpop (xrf0)  }
0x1b6: {  	(v2sf) =	vpush v21, $0xF;
	_ =	sdelay $0xe  }
0x1b7: {  	s1 =	smul.u32 $0x3200, s0;
	s2 =	spop (v2sf)  }
0x1b8: {  	p1 =	slt.f32 s2, s29  }
0x1b9: {  	s1 =	sadd.s32 s5, s1  }
0x1ba: {  	s2 =	sadd.s32 s30, s1;
	v21 =	vlaneseq.u32 @p1  }
0x1bb: {  	v22 =	vadd.s32 @p1 s2, v21  }
0x1bc: {  	(xrf1) =	vsort.ascd.msk.f32 @p1 $0xffff, v20, v22;
	_ =	sdelay $0xb  }
0x1bd: {  	v20 =	vmul.u32 @p1 $0xFFFFFFFF, v21;
	_ =	sdelay $0x1  }
0x1be: {  	v20 =	vadd.s32 @p1 $0xF, v20;
	v21, v22, _ =	vpop @p1 (xrf1)  }
0x1bf: {  	v21 =	vperm.xlane @p1 v21, v20  }
0x1c0: {  	v20 =	vperm.xlane @p1 v22, v20  }
0x1c1: {  	vm0 =	vle.f32 @p1 v12, v21  }
0x1c2: {  	v21 =	vsel @p1 vm0, v12, v21;
	v20 =	vsel @p1 vm0, v11, v20  }
0x1c3: {  	(xrf1) =	vsort.ascd.msk.f32 @p1 $0xffff, v21, v20;
	_ =	sdelay $0x6  }
0x1c4: {  	(xrf0) =	vmin.scan.msk.f32 $0xffff, v19;
	_ =	sdelay $0x1  }
0x1c5: {  	(xrf0) =	vmin.scan.msk.f32 $0xffff, v18  }
0x1c6: {  	(xrf0) =	vmin.scan.msk.f32 $0xffff, v17  }
0x1c7: {  	(xrf0) =	vmin.scan.msk.f32 $0xffff, v16  }
0x1c8: {  	(xrf0) =	vmin.scan.msk.f32 $0xffff, v15  }
0x1c9: {  	(xrf0) =	vmin.scan.msk.f32 $0xffff, v14;
	v58, _, _ =	vpop (xrf0)  }
0x1ca: {  	(xrf0) =	vmin.scan.msk.f32 $0xffff, v13;
	v21, v22, _ =	vpop @p1 (xrf1)  }
0x1cb: {  	v59, _, _ =	vpop (xrf0);
	(v2sf) =	vpush v58, $0xF;
	(xrf0) =	vmax.scan.msk.f32 @p1 $0xffff, v21  }
0x1cc: {  	v23, _, _ =	vpop (xrf0);
	(v2sf) =	vpush v59, $0xF  }
0x1cd: {  	v60, _, _ =	vpop (xrf0);
	(v2sf) =	vpush v23, $0xF  }
0x1ce: {  	v61, _, _ =	vpop (xrf0);
	(v2sf) =	vpush v60, $0xF  }
0x1cf: {  	v62, _, _ =	vpop (xrf0);
	(v2sf) =	vpush v61, $0xF  }
0x1d0: {  	v63, _, _ =	vpop (xrf0);
	(v2sf) =	vpush v62, $0xF  }
0x1d1: {  	(v2sf) =	vpush v63, $0xF;
	v20, _, _ =	vpop @p1 (xrf0)  }
0x1d2: {  	(v2sf) =	vpush @p1 v20, $0xF;
	_ =	sdelay $0x7  }
0x1d3: {  	s6 =	spop (v2sf)  }
0x1d4: {  	s22 =	spop (v2sf)  }
0x1d5: {  	s25 =	spop (v2sf)  }
0x1d6: {  	s21 =	spop (v2sf)  }
0x1d7: {  	s18 =	spop (v2sf)  }
0x1d8: {  	s16 =	spop (v2sf)  }
0x1d9: {  	s1 =	spop (v2sf)  }
0x1da: {  	s26 =	spop @p1 (v2sf)  }
0x1db: {  	s29 =	smov.u32 @p1 s26  }
0x1dc: {  	p2 =	slt.f32 s6, s29;
	_ =	sdelay $0x1  }
0x1dd: {  	s6 =	sadd.s32 @p2 $0x10, s2;
	v20 =	vlaneseq.u32 @p2  }
0x1de: {  	v23 =	vadd.s32 @p2 s6, v20  }
0x1df: {  	(xrf1) =	vsort.ascd.msk.f32 @p2 $0xffff, v19, v23;
	_ =	sdelay $0xb  }
0x1e0: {  	v19 =	vmul.u32 @p2 $0xFFFFFFFF, v20;
	_ =	sdelay $0x1  }
0x1e1: {  	v19 =	vadd.s32 @p2 $0xF, v19;
	v20, v23, _ =	vpop @p2 (xrf1)  }
0x1e2: {  	v20 =	vperm.xlane @p2 v20, v19  }
0x1e3: {  	v12 =	vpsel p1, v21, v12;
	v19 =	vperm.xlane @p2 v23, v19  }
0x1e4: {  	v11 =	vpsel p1, v22, v11;
	vm0 =	vle.f32 @p2 v12, v20  }
0x1e5: {  	v20 =	vsel @p2 vm0, v12, v20;
	v19 =	vsel @p2 vm0, v11, v19  }
0x1e6: {  	(xrf1) =	vsort.ascd.msk.f32 @p2 $0xffff, v20, v19;
	_ =	sdelay $0xd  }
0x1e7: {  	v19, v20, _ =	vpop @p2 (xrf1)  }
0x1e8: {  	(xrf0) =	vmax.scan.msk.f32 @p2 $0xffff, v19;
	_ =	sdelay $0x5  }
0x1e9: {  	v21, _, _ =	vpop @p2 (xrf0)  }
0x1ea: {  	(v2sf) =	vpush @p2 v21, $0xF;
	_ =	sdelay $0xe  }
0x1eb: {  	s6 =	spop @p2 (v2sf)  }
0x1ec: {  	s29 =	smov.u32 @p2 s6  }
0x1ed: {  	p1 =	slt.f32 s22, s29;
	_ =	sdelay $0x1  }
0x1ee: {  	s6 =	sadd.s32 @p1 $0x20, s2;
	v21 =	vlaneseq.u32 @p1  }
0x1ef: {  	v22 =	vadd.s32 @p1 s6, v21  }
0x1f0: {  	(xrf1) =	vsort.ascd.msk.f32 @p1 $0xffff, v18, v22;
	_ =	sdelay $0xb  }
0x1f1: {  	v18 =	vmul.u32 @p1 $0xFFFFFFFF, v21;
	_ =	sdelay $0x1  }
0x1f2: {  	v18 =	vadd.s32 @p1 $0xF, v18;
	v21, v22, _ =	vpop @p1 (xrf1)  }
0x1f3: {  	v21 =	vperm.xlane @p1 v21, v18  }
0x1f4: {  	v12 =	vpsel p2, v19, v12;
	v18 =	vperm.xlane @p1 v22, v18  }
0x1f5: {  	v11 =	vpsel p2, v20, v11;
	vm0 =	vle.f32 @p1 v12, v21  }
0x1f6: {  	v19 =	vsel @p1 vm0, v12, v21;
	v18 =	vsel @p1 vm0, v11, v18  }
0x1f7: {  	(xrf1) =	vsort.ascd.msk.f32 @p1 $0xffff, v19, v18;
	_ =	sdelay $0xd  }
0x1f8: {  	v18, v19, _ =	vpop @p1 (xrf1)  }
0x1f9: {  	(xrf0) =	vmax.scan.msk.f32 @p1 $0xffff, v18;
	_ =	sdelay $0x5  }
0x1fa: {  	v20, _, _ =	vpop @p1 (xrf0)  }
0x1fb: {  	(v2sf) =	vpush @p1 v20, $0xF;
	_ =	sdelay $0xe  }
0x1fc: {  	s6 =	spop @p1 (v2sf)  }
0x1fd: {  	s29 =	smov.u32 @p1 s6  }
0x1fe: {  	p2 =	slt.f32 s25, s29;
	_ =	sdelay $0x1  }
0x1ff: {  	s6 =	sadd.s32 @p2 $0x30, s2;
	v20 =	vlaneseq.u32 @p2  }
0x200: {  	v21 =	vadd.s32 @p2 s6, v20  }
0x201: {  	(xrf1) =	vsort.ascd.msk.f32 @p2 $0xffff, v17, v21;
	_ =	sdelay $0xb  }
0x202: {  	v17 =	vmul.u32 @p2 $0xFFFFFFFF, v20;
	_ =	sdelay $0x1  }
0x203: {  	v17 =	vadd.s32 @p2 $0xF, v17;
	v20, v21, _ =	vpop @p2 (xrf1)  }
0x204: {  	v20 =	vperm.xlane @p2 v20, v17  }
0x205: {  	v12 =	vpsel p1, v18, v12;
	v17 =	vperm.xlane @p2 v21, v17  }
0x206: {  	v11 =	vpsel p1, v19, v11;
	vm0 =	vle.f32 @p2 v12, v20  }
0x207: {  	v18 =	vsel @p2 vm0, v12, v20;
	v17 =	vsel @p2 vm0, v11, v17  }
0x208: {  	(xrf1) =	vsort.ascd.msk.f32 @p2 $0xffff, v18, v17;
	_ =	sdelay $0xd  }
0x209: {  	v17, v18, _ =	vpop @p2 (xrf1)  }
0x20a: {  	(xrf0) =	vmax.scan.msk.f32 @p2 $0xffff, v17;
	_ =	sdelay $0x5  }
0x20b: {  	v19, _, _ =	vpop @p2 (xrf0)  }
0x20c: {  	(v2sf) =	vpush @p2 v19, $0xF;
	_ =	sdelay $0xe  }
0x20d: {  	s6 =	spop @p2 (v2sf)  }
0x20e: {  	s29 =	smov.u32 @p2 s6  }
0x20f: {  	p1 =	slt.f32 s21, s29;
	_ =	sdelay $0x1  }
0x210: {  	s6 =	sadd.s32 @p1 $0x40, s2;
	v19 =	vlaneseq.u32 @p1  }
0x211: {  	v20 =	vadd.s32 @p1 s6, v19  }
0x212: {  	(xrf1) =	vsort.ascd.msk.f32 @p1 $0xffff, v16, v20;
	_ =	sdelay $0xb  }
0x213: {  	v16 =	vmul.u32 @p1 $0xFFFFFFFF, v19;
	_ =	sdelay $0x1  }
0x214: {  	v16 =	vadd.s32 @p1 $0xF, v16;
	v19, v20, _ =	vpop @p1 (xrf1)  }
0x215: {  	v19 =	vperm.xlane @p1 v19, v16  }
0x216: {  	v12 =	vpsel p2, v17, v12;
	v16 =	vperm.xlane @p1 v20, v16  }
0x217: {  	v11 =	vpsel p2, v18, v11;
	vm0 =	vle.f32 @p1 v12, v19  }
0x218: {  	v17 =	vsel @p1 vm0, v12, v19;
	v16 =	vsel @p1 vm0, v11, v16  }
0x219: {  	(xrf1) =	vsort.ascd.msk.f32 @p1 $0xffff, v17, v16;
	_ =	sdelay $0xd  }
0x21a: {  	v16, v17, _ =	vpop @p1 (xrf1)  }
0x21b: {  	(xrf0) =	vmax.scan.msk.f32 @p1 $0xffff, v16;
	_ =	sdelay $0x5  }
0x21c: {  	v18, _, _ =	vpop @p1 (xrf0)  }
0x21d: {  	(v2sf) =	vpush @p1 v18, $0xF;
	_ =	sdelay $0xe  }
0x21e: {  	s6 =	spop @p1 (v2sf)  }
0x21f: {  	s29 =	smov.u32 @p1 s6  }
0x220: {  	p2 =	slt.f32 s18, s29;
	_ =	sdelay $0x1  }
0x221: {  	s6 =	sadd.s32 @p2 $0x50, s2;
	v18 =	vlaneseq.u32 @p2  }
0x222: {  	v19 =	vadd.s32 @p2 s6, v18  }
0x223: {  	(xrf1) =	vsort.ascd.msk.f32 @p2 $0xffff, v15, v19;
	_ =	sdelay $0xb  }
0x224: {  	v15 =	vmul.u32 @p2 $0xFFFFFFFF, v18;
	_ =	sdelay $0x1  }
0x225: {  	v15 =	vadd.s32 @p2 $0xF, v15;
	v18, v19, _ =	vpop @p2 (xrf1)  }
0x226: {  	v18 =	vperm.xlane @p2 v18, v15  }
0x227: {  	v12 =	vpsel p1, v16, v12;
	v15 =	vperm.xlane @p2 v19, v15  }
0x228: {  	v11 =	vpsel p1, v17, v11;
	vm0 =	vle.f32 @p2 v12, v18  }
0x229: {  	v16 =	vsel @p2 vm0, v12, v18;
	v15 =	vsel @p2 vm0, v11, v15  }
0x22a: {  	(xrf1) =	vsort.ascd.msk.f32 @p2 $0xffff, v16, v15;
	_ =	sdelay $0xd  }
0x22b: {  	v15, v16, _ =	vpop @p2 (xrf1)  }
0x22c: {  	(xrf0) =	vmax.scan.msk.f32 @p2 $0xffff, v15;
	_ =	sdelay $0x5  }
0x22d: {  	v17, _, _ =	vpop @p2 (xrf0)  }
0x22e: {  	(v2sf) =	vpush @p2 v17, $0xF;
	_ =	sdelay $0xe  }
0x22f: {  	s6 =	spop @p2 (v2sf)  }
0x230: {  	s29 =	smov.u32 @p2 s6  }
0x231: {  	p1 =	slt.f32 s16, s29;
	_ =	sdelay $0x1  }
0x232: {  	s6 =	sadd.s32 @p1 $0x60, s2;
	v17 =	vlaneseq.u32 @p1  }
0x233: {  	v18 =	vadd.s32 @p1 s6, v17  }
0x234: {  	(xrf1) =	vsort.ascd.msk.f32 @p1 $0xffff, v14, v18;
	_ =	sdelay $0xb  }
0x235: {  	v14 =	vmul.u32 @p1 $0xFFFFFFFF, v17;
	_ =	sdelay $0x1  }
0x236: {  	v14 =	vadd.s32 @p1 $0xF, v14;
	v17, v18, _ =	vpop @p1 (xrf1)  }
0x237: {  	v17 =	vperm.xlane @p1 v17, v14  }
0x238: {  	v12 =	vpsel p2, v15, v12;
	v14 =	vperm.xlane @p1 v18, v14  }
0x239: {  	v11 =	vpsel p2, v16, v11;
	vm0 =	vle.f32 @p1 v12, v17  }
0x23a: {  	v15 =	vsel @p1 vm0, v12, v17;
	v14 =	vsel @p1 vm0, v11, v14  }
0x23b: {  	(xrf1) =	vsort.ascd.msk.f32 @p1 $0xffff, v15, v14;
	_ =	sdelay $0xd  }
0x23c: {  	v14, v15, _ =	vpop @p1 (xrf1)  }
0x23d: {  	(xrf0) =	vmax.scan.msk.f32 @p1 $0xffff, v14;
	_ =	sdelay $0x5  }
0x23e: {  	v16, _, _ =	vpop @p1 (xrf0)  }
0x23f: {  	(v2sf) =	vpush @p1 v16, $0xF;
	_ =	sdelay $0xe  }
0x240: {  	s6 =	spop @p1 (v2sf)  }
0x241: {  	s29 =	smov.u32 @p1 s6  }
0x242: {  	p2 =	slt.f32 s1, s29;
	_ =	sdelay $0x1  }
0x243: {  	s1 =	sadd.s32 @p2 $0x70, s2;
	v16 =	vlaneseq.u32 @p2  }
0x244: {  	v17 =	vadd.s32 @p2 s1, v16  }
0x245: {  	(xrf1) =	vsort.ascd.msk.f32 @p2 $0xffff, v13, v17;
	_ =	sdelay $0xb  }
0x246: {  	v13 =	vmul.u32 @p2 $0xFFFFFFFF, v16;
	_ =	sdelay $0x1  }
0x247: {  	v13 =	vadd.s32 @p2 $0xF, v13;
	v16, v17, _ =	vpop @p2 (xrf1)  }
0x248: {  	v16 =	vperm.xlane @p2 v16, v13  }
0x249: {  	v12 =	vpsel p1, v14, v12;
	v13 =	vperm.xlane @p2 v17, v13  }
0x24a: {  	v11 =	vpsel p1, v15, v11;
	vm0 =	vle.f32 @p2 v12, v16  }
0x24b: {  	v14 =	vsel @p2 vm0, v12, v16;
	v13 =	vsel @p2 vm0, v11, v13  }
0x24c: {  	(xrf1) =	vsort.ascd.msk.f32 @p2 $0xffff, v14, v13;
	_ =	sdelay $0xd  }
0x24d: {  	v13, v14, _ =	vpop @p2 (xrf1)  }
0x24e: {  	(xrf0) =	vmax.scan.msk.f32 @p2 $0xffff, v13;
	_ =	sdelay $0x5  }
0x24f: {  	v15, _, _ =	vpop @p2 (xrf0)  }
0x250: {  	(v2sf) =	vpush @p2 v15, $0xF;
	_ =	sdelay $0xb  }
.Ltmp9:
0x251: {  	_ = 	snop;
	(pc) =	sbr.rel .LBB2_8-.Ltmp9, $3  }
0x252: {  	_ =	sdelay $0x1  }
0x253: {  	s1 =	spop @p2 (v2sf)  }
0x254: {  	v12 =	vpsel p2, v13, v12;
	v11 =	vpsel p2, v14, v11;
	s29 =	smov.u32 @p2 s1  }
.LBB2_10:
0x255: {  	_ =	sfence.sel $0x180000  }
0x256: {  	[bflag:$0x0] =	sbarrier.arrive $0xFFFF  }
0x257: {  	_ =	strace $0x90000047  }
0x258: {  	s0 =	stileid.u32;
	[bflag:$0x2] =	sbarrier.arrive $0xFFFF  }
0x259: {  	p0 =	sne.s32 s0, $0x0;
	s0 =	rddreg [dreg:$0x5]  }
0x25a: {  	s0 =	sadd.s32 @!p0 $0x100000, s0  }
0x25b: {  	[sflag:s0] =	ssyncadd.tile.s32 @!p0 $0x1;
	_ =	shalt  }
.Lfunc_end2:
_tile_overlayer_lowered:
.L_overlay_start_2:
0x25c: {  	(tag) =	ssettag $0x2  }
0x25d: {  	s0 =	rddreg [dreg:$0x0];
	s2 =	stileid.u32  }
0x25e: {  	s1 =	rddreg [dreg:$0x1];
	p0 =	sne.s32 s2, $0x0  }
0x25f: {  	s3 =	rddreg [dreg:$0x2];
	[bflag:$0x3] =	sbarrier.arrive $0xFFFF;
	s2 =	simm.s32 @!p0 $0x1C05  }
0x260: {  	[timem:s3], [sflag:s2] =	dma.local @!p0 [hbm:s0], s1  }
0x261: {  	s0 =	simm.s32 @!p0 $0x5  }
0x262: {  	_ =	swait.ge @!p0 [sflag:s0], s1  }
0x263: {  	s1 =	ssub.s32 @!p0 $0x0, s1;
	[sflag:s0] =	ssyncset.done @!p0 $0x0  }
0x264: {  	[sflag:s0] =	ssyncadd.s32 @!p0 s1  }
0x265: {  	[bflag:$0x3] =	sbarrier.arrive $0xFFFF  }
0x266: {  	_ =	shalt  }

</sc_bundles>
